<compile_context>
chip_gen: v7x
topology: tpu7x:2x2x1
jax: 0.10.2.dev20260603
libtpu: 0.0.44.dev20260713+nightly
codegen_flags: <defaults>
</compile_context>

<pallas_src>
import jax
import jax.numpy as jnp
from jax.experimental import pallas as pl
from jax.experimental.pallas import tpu as pltpu
from jax.experimental.pallas import tpu_sc as plsc

_RB = 32
_CB = 512
_LANES = 16


def kernel(x, pe):
    batch, seq, d_model = x.shape
    rows = batch * seq
    x2d = x.reshape(rows, d_model)
    n_r = rows // _RB
    n_c = d_model // _CB
    n_pe = seq // _RB

    mesh = plsc.VectorSubcoreMesh(core_axis_name="core", subcore_axis_name="subcore")

    @pl.kernel(out_type=jax.ShapeDtypeStruct((rows, d_model), x.dtype), mesh=mesh)
    def sc_add(x_hbm, pe_hbm, o_hbm):
        unroll = 16

        def body(x_vmem, pe_vmem, o_vmem):
            @pl.loop(0, _RB)
            def _(r):
                @pl.loop(0, _CB, step=_LANES * unroll)
                def _(c):
                    for u in range(unroll):
                        slc = (pl.ds(r, 1), pl.ds(c + u * _LANES, _LANES))
                        o_vmem.at[*slc][...] = (
                            x_vmem.at[*slc][...] + pe_vmem.at[*slc][...]
                        )

        pltpu.emit_pipeline(
            body,
            grid=(n_r, n_c),
            in_specs=[
                pl.BlockSpec((_RB, _CB), index_map=lambda i, j: (i, j)),
                pl.BlockSpec((_RB, _CB), index_map=lambda i, j: (i % n_pe, j)),
            ],
            out_specs=[pl.BlockSpec((_RB, _CB), index_map=lambda i, j: (i, j))],
            core_axis_name=("core", "subcore"),
            dimension_semantics=(pltpu.PARALLEL, pltpu.PARALLEL),
        )(x_hbm, pe_hbm, o_hbm)

    out = sc_add(x2d, pe)
    return out.reshape(batch, seq, d_model)

# --- scband reference (transcript-rebuilt; emitter-appended) ---
"""Pipeline reference for scband-learnable-positional-encoding-52767968198871 (READ-ONLY COPY).

The authoritative reference and input builder live on the scoring server;
editing this copy changes nothing except your own understanding.
"""

import jax, jax.numpy as jnp
import numpy as np

D_MODEL = 1024
MAX_LEN = 8192
BATCH = 4
SEQ = 8192


def _init_pe():
    position = np.arange(0, MAX_LEN, dtype=np.float32)[:, None]
    div_term = np.exp(np.arange(0, D_MODEL, 2, dtype=np.float32) * (-np.log(10000.0) / D_MODEL))
    pe = np.zeros((MAX_LEN, D_MODEL), dtype=np.float32)
    pe[:, 0::2] = np.sin(position * div_term)
    pe[:, 1::2] = np.cos(position * div_term)
    return jnp.asarray(pe)


def setup_inputs(seed: int = 0) -> dict:
    key = jax.random.key(seed)
    x = jax.random.normal(key, (BATCH, SEQ, D_MODEL), dtype=jnp.float32)
    pe = _init_pe()
    return {"x": x, "pe": pe}


def reference(x, pe):
    # LearnablePositionalEncoding.forward (eval mode, dropout p=0.0 is identity)
    seq_len = x.shape[1]
    positions = jnp.arange(seq_len)
    pos_emb = jnp.take(pe, positions, axis=0)  # gather: (seq_len, d_model)
    return x + pos_emb[None, :, :]

if __name__ == "__main__":
    import jax
    _d = setup_inputs()
    print(jax.jit(kernel)(*tuple(_d.values())))

</pallas_src>

<mosaic_0001>
#map = affine_map<(d0, d1) -> (0, 0)>
module attributes {stable_mosaic.version = 14 : i64} {
  func.func @sc_add(%arg0: i32, %arg1: i32, %arg2: memref<32768x1024xf32, #tpu.memory_space<hbm>>, %arg3: memref<8192x1024xf32, #tpu.memory_space<hbm>>, %arg4: memref<32768x1024xf32, #tpu.memory_space<hbm>>) attributes {dimension_semantics = [#tpu.dimension_semantics<core_parallel>, #tpu.dimension_semantics<subcore_parallel>], iteration_bounds = array<i64: 2, 16>, scalar_prefetch = 0 : i64, scratch_operands = 0 : i64, tpu.core_type = #tpu.core_type<sc_vector_subcore>, window_params = [{transform_indices = #map}, {transform_indices = #map}, {transform_indices = #map}]} {
    %mul3A = arith.constant 1 : i32
    %mul3A_0 = arith.muli %arg1, %mul3A : i32
    %add3A = arith.constant 0 : i32
    %add3A_1 = arith.addi %add3A, %mul3A_0 : i32
    %mul3A_2 = arith.constant 16 : i32
    %mul3A_3 = arith.muli %arg0, %mul3A_2 : i32
    %add3A_4 = arith.addi %add3A_1, %mul3A_3 : i32
    %mul3A_5 = arith.constant 32 : i32
    %mul3A_6 = arith.muli %add3A_4, %mul3A_5 : i32
    "tpu.region"() ({
      %run_scoped3A = memref.alloca() : memref<2x32x512xf32, #tpu.memory_space<vmem>>
      %run_scoped3A_7 = tpu.sem_alloc : memref<2x!tpu.dma_semaphore, #tpu.memory_space<semaphore_mem>>
      %run_scoped3A_8 = memref.alloca() : memref<2x32x512xf32, #tpu.memory_space<vmem>>
      %run_scoped3A_9 = tpu.sem_alloc : memref<2x!tpu.dma_semaphore, #tpu.memory_space<semaphore_mem>>
      %run_scoped3A_10 = memref.alloca() : memref<2x32x512xf32, #tpu.memory_space<vmem>>
      %run_scoped3A_11 = tpu.sem_alloc : memref<2x!tpu.dma_semaphore, #tpu.memory_space<semaphore_mem>>
      %add3A_12 = arith.constant 0 : i32
      %add3A_13 = arith.addi %add3A_12, %mul3A_6 : i32
      %select_n3A = arith.constant true
      %select_n3A_14 = arith.constant 0 : i32
      %select_n3A_15 = arith.constant -1 : i32
      %select_n3A_16 = arith.select %select_n3A, %select_n3A_15, %select_n3A_14 : i32
      %eq3A = arith.constant -1 : i32
      %eq3A_17 = arith.cmpi eq, %select_n3A_16, %eq3A : i32
      %select_n3A_18 = arith.constant 1 : i32
      %select_n3A_19 = arith.select %eq3A_17, %select_n3A_18, %select_n3A_16 : i32
      %select_n3A_20 = arith.constant 0 : i32
      %select_n3A_21 = arith.constant -1 : i32
      %select_n3A_22 = arith.select %eq3A_17, %select_n3A_21, %select_n3A_20 : i32
      %eq3A_23 = arith.constant -1 : i32
      %eq3A_24 = arith.cmpi eq, %select_n3A_22, %eq3A_23 : i32
      %select_n3A_25 = arith.constant 31 : i32
      %select_n3A_26 = arith.select %eq3A_24, %select_n3A_25, %select_n3A_22 : i32
      %add3A_27 = arith.addi %select_n3A_26, %mul3A_6 : i32
      %add3A_28 = arith.constant 0 : i32
      %add3A_29 = arith.addi %select_n3A_19, %add3A_28 : i32
      %select_n3A_30 = arith.constant true
      %select_n3A_31 = arith.constant 0 : i32
      %select_n3A_32 = arith.constant 1 : i32
      %select_n3A_33 = arith.select %select_n3A_30, %select_n3A_32, %select_n3A_31 : i32
      %eq3A_34 = arith.constant 2 : i32
      %eq3A_35 = arith.cmpi eq, %select_n3A_33, %eq3A_34 : i32
      %select_n3A_36 = arith.constant 0 : i32
      %select_n3A_37 = arith.select %eq3A_35, %select_n3A_36, %select_n3A_33 : i32
      %select_n3A_38 = arith.constant 0 : i32
      %select_n3A_39 = arith.constant 1 : i32
      %select_n3A_40 = arith.select %eq3A_35, %select_n3A_39, %select_n3A_38 : i32
      %eq3A_41 = arith.constant 32 : i32
      %eq3A_42 = arith.cmpi eq, %select_n3A_40, %eq3A_41 : i32
      %select_n3A_43 = arith.constant 0 : i32
      %select_n3A_44 = arith.select %eq3A_42, %select_n3A_43, %select_n3A_40 : i32
      %add3A_45 = arith.addi %select_n3A_44, %mul3A_6 : i32
      %add3A_46 = arith.constant 0 : i32
      %add3A_47 = arith.addi %select_n3A_37, %add3A_46 : i32
      %add3A_48 = arith.constant 1 : i32
      %add3A_49 = arith.addi %select_n3A_37, %add3A_48 : i32
      %select_n3A_50 = arith.constant true
      %select_n3A_51 = arith.select %select_n3A_50, %add3A_49, %select_n3A_37 : i32
      %eq3A_52 = arith.constant 2 : i32
      %eq3A_53 = arith.cmpi eq, %select_n3A_51, %eq3A_52 : i32
      %select_n3A_54 = arith.constant 0 : i32
      %select_n3A_55 = arith.select %eq3A_53, %select_n3A_54, %select_n3A_51 : i32
      %add3A_56 = arith.constant 1 : i32
      %add3A_57 = arith.addi %select_n3A_44, %add3A_56 : i32
      %select_n3A_58 = arith.select %eq3A_53, %add3A_57, %select_n3A_44 : i32
      %eq3A_59 = arith.constant 32 : i32
      %eq3A_60 = arith.cmpi eq, %select_n3A_58, %eq3A_59 : i32
      %select_n3A_61 = arith.constant 0 : i32
      %select_n3A_62 = arith.select %eq3A_60, %select_n3A_61, %select_n3A_58 : i32
      %add3A_63 = arith.addi %select_n3A_62, %mul3A_6 : i32
      %add3A_64 = arith.constant 0 : i32
      %add3A_65 = arith.addi %select_n3A_55, %add3A_64 : i32
      "tpu.trace_start"() <{level = 10 : i32, message = "ep_initialize_0"}> : () -> ()
      %rem3A = arith.constant 0 : i32
      %rem3A_66 = arith.constant 2 : i32
      %rem3A_67 = arith.remui %rem3A, %rem3A_66 : i32
      %mul3A_68 = arith.constant 32 : i32
      %mul3A_69 = arith.muli %mul3A_68, %add3A_13 : i32
      %dma_start3A = arith.constant 0 : i32
      %dma_start3A_70 = arith.constant 0 : i32
      %dma_start3A_71 = tpu.memref_slice %run_scoped3A[%rem3A_67, %dma_start3A, %dma_start3A_70] : memref<2x32x512xf32, #tpu.memory_space<vmem>> -> memref<1x32x512xf32, #tpu.memory_space<vmem>>
      %dma_start3A_72 = tpu.memref_squeeze %dma_start3A_71 : memref<1x32x512xf32, #tpu.memory_space<vmem>> -> memref<32x512xf32, #tpu.memory_space<vmem>>
      %dma_start3A_73 = arith.constant 0 : i32
      %dma_start3A_74 = tpu.memref_slice %arg2[%mul3A_69, %dma_start3A_73] : memref<32768x1024xf32, #tpu.memory_space<hbm>> -> memref<32x512xf32, #tpu.memory_space<hbm>>
      %dma_start3A_75 = tpu.memref_slice %run_scoped3A_7[%rem3A_67] : memref<2x!tpu.dma_semaphore, #tpu.memory_space<semaphore_mem>> -> memref<1x!tpu.dma_semaphore, #tpu.memory_space<semaphore_mem>>
      %dma_start3A_76 = tpu.memref_squeeze %dma_start3A_75 : memref<1x!tpu.dma_semaphore, #tpu.memory_space<semaphore_mem>> -> memref<!tpu.dma_semaphore, #tpu.memory_space<semaphore_mem>>
      %dma_start3A_77 = arith.constant 0 : i32
      %dma_start3A_78 = arith.constant 0 : i32
      %dma_start3A_79 = tpu.memref_slice %run_scoped3A[%rem3A_67, %dma_start3A_77, %dma_start3A_78] : memref<2x32x512xf32, #tpu.memory_space<vmem>> -> memref<1x32x512xf32, #tpu.memory_space<vmem>>
      %dma_start3A_80 = tpu.memref_squeeze %dma_start3A_79 : memref<1x32x512xf32, #tpu.memory_space<vmem>> -> memref<32x512xf32, #tpu.memory_space<vmem>>
      %dma_start3A_81 = arith.constant 0 : i32
      %dma_start3A_82 = tpu.memref_slice %arg2[%mul3A_69, %dma_start3A_81] : memref<32768x1024xf32, #tpu.memory_space<hbm>> -> memref<32x512xf32, #tpu.memory_space<hbm>>
      tpu.enqueue_dma source(%dma_start3A_82 : memref<32x512xf32, #tpu.memory_space<hbm>>) target(%dma_start3A_80 : memref<32x512xf32, #tpu.memory_space<vmem>>) target_semaphore(%dma_start3A_76 : memref<!tpu.dma_semaphore, #tpu.memory_space<semaphore_mem>>)
      %add3A_83 = arith.constant 0 : i32
      %add3A_84 = arith.constant 1 : i32
      %add3A_85 = arith.addi %add3A_83, %add3A_84 : i32
      %select_n3A_86 = arith.constant true
      %select_n3A_87 = arith.constant 0 : i32
      %select_n3A_88 = arith.select %select_n3A_86, %add3A_85, %select_n3A_87 : i32
      %rem3A_89 = arith.constant 0 : i32
      %rem3A_90 = arith.constant 2 : i32
      %rem3A_91 = arith.remui %rem3A_89, %rem3A_90 : i32
      %jit3A = arith.constant 256 : i32
      %eq3A_92 = arith.constant 0 : i32
      %eq3A_93 = arith.cmpi eq, %jit3A, %eq3A_92 : i32
      %jit3A_94 = arith.constant 1 : i32
      %select_n3A_95 = arith.select %eq3A_93, %jit3A_94, %jit3A : i32
      %rem3A_96 = arith.remsi %add3A_13, %select_n3A_95 : i32
      %ne3A = arith.constant 0 : i32
      %ne3A_97 = arith.cmpi ne, %rem3A_96, %ne3A : i32
      %lt3A = arith.constant 0 : i32
      %lt3A_98 = arith.cmpi slt, %rem3A_96, %lt3A : i32
      %lt3A_99 = arith.constant 0 : i32
      %lt3A_100 = arith.cmpi slt, %select_n3A_95, %lt3A_99 : i32
      %ne3A_101 = arith.xori %lt3A_98, %lt3A_100 : i1
      %and3A = arith.andi %ne3A_101, %ne3A_97 : i1
      %add3A_102 = arith.addi %rem3A_96, %select_n3A_95 : i32
      %select_n3A_103 = arith.select %and3A, %add3A_102, %rem3A_96 : i32
      %mul3A_104 = arith.constant 32 : i32
      %mul3A_105 = arith.muli %mul3A_104, %select_n3A_103 : i32
      %dma_start3A_106 = arith.constant 0 : i32
      %dma_start3A_107 = arith.constant 0 : i32
      %dma_start3A_108 = tpu.memref_slice %run_scoped3A_8[%rem3A_91, %dma_start3A_106, %dma_start3A_107] : memref<2x32x512xf32, #tpu.memory_space<vmem>> -> memref<1x32x512xf32, #tpu.memory_space<vmem>>
      %dma_start3A_109 = tpu.memref_squeeze %dma_start3A_108 : memref<1x32x512xf32, #tpu.memory_space<vmem>> -> memref<32x512xf32, #tpu.memory_space<vmem>>
      %dma_start3A_110 = arith.constant 0 : i32
      %dma_start3A_111 = tpu.memref_slice %arg3[%mul3A_105, %dma_start3A_110] : memref<8192x1024xf32, #tpu.memory_space<hbm>> -> memref<32x512xf32, #tpu.memory_space<hbm>>
      %dma_start3A_112 = tpu.memref_slice %run_scoped3A_9[%rem3A_91] : memref<2x!tpu.dma_semaphore, #tpu.memory_space<semaphore_mem>> -> memref<1x!tpu.dma_semaphore, #tpu.memory_space<semaphore_mem>>
      %dma_start3A_113 = tpu.memref_squeeze %dma_start3A_112 : memref<1x!tpu.dma_semaphore, #tpu.memory_space<semaphore_mem>> -> memref<!tpu.dma_semaphore, #tpu.memory_space<semaphore_mem>>
      %dma_start3A_114 = arith.constant 0 : i32
      %dma_start3A_115 = arith.constant 0 : i32
      %dma_start3A_116 = tpu.memref_slice %run_scoped3A_8[%rem3A_91, %dma_start3A_114, %dma_start3A_115] : memref<2x32x512xf32, #tpu.memory_space<vmem>> -> memref<1x32x512xf32, #tpu.memory_space<vmem>>
      %dma_start3A_117 = tpu.memref_squeeze %dma_start3A_116 : memref<1x32x512xf32, #tpu.memory_space<vmem>> -> memref<32x512xf32, #tpu.memory_space<vmem>>
      %dma_start3A_118 = arith.constant 0 : i32
      %dma_start3A_119 = tpu.memref_slice %arg3[%mul3A_105, %dma_start3A_118] : memref<8192x1024xf32, #tpu.memory_space<hbm>> -> memref<32x512xf32, #tpu.memory_space<hbm>>
      tpu.enqueue_dma source(%dma_start3A_119 : memref<32x512xf32, #tpu.memory_space<hbm>>) target(%dma_start3A_117 : memref<32x512xf32, #tpu.memory_space<vmem>>) target_semaphore(%dma_start3A_113 : memref<!tpu.dma_semaphore, #tpu.memory_space<semaphore_mem>>)
      %add3A_120 = arith.constant 0 : i32
      %add3A_121 = arith.constant 1 : i32
      %add3A_122 = arith.addi %add3A_120, %add3A_121 : i32
      %select_n3A_123 = arith.constant true
      %select_n3A_124 = arith.constant 0 : i32
      %select_n3A_125 = arith.select %select_n3A_123, %add3A_122, %select_n3A_124 : i32
      "tpu.trace_stop"() : () -> ()
      %scan3A = arith.constant 0 : i32
      %scan3A_126 = arith.constant 0 : i32
      %scan3A_127 = arith.constant 0 : i32
      %scan3A_128 = arith.constant 0 : i32
      %scan3A_129 = arith.constant 0 : i32
      %scan3A_130 = arith.constant 0 : i32
      %scan3A_131 = arith.constant 0 : i32
      %scan3A_132 = arith.constant 64 : i32
      %scan3A_133 = arith.addi %scan3A_131, %scan3A_132 : i32
      %scan3A_134 = arith.constant 1 : i32
      %scan3A_135:8 = scf.for %scan3A_225 = %scan3A_131 to %scan3A_133 step %scan3A_134 iter_args(%scan3A_226 = %select_n3A_88, %scan3A_227 = %scan3A, %scan3A_228 = %select_n3A_125, %scan3A_229 = %scan3A_126, %scan3A_230 = %scan3A_127, %scan3A_231 = %scan3A_128, %scan3A_232 = %scan3A_129, %scan3A_233 = %scan3A_130) -> (i32, i32, i32, i32, i32, i32, i32, i32)  : i32 {
        %eq3A_234 = arith.constant 0 : i32
        %eq3A_235 = arith.cmpi eq, %scan3A_225, %eq3A_234 : i32
        %eq3A_236 = arith.constant 63 : i32
        %eq3A_237 = arith.cmpi eq, %scan3A_225, %eq3A_236 : i32
        %add3A_238 = arith.addi %scan3A_232, %mul3A_6 : i32
        %add3A_239 = arith.constant 0 : i32
        %add3A_240 = arith.addi %scan3A_233, %add3A_239 : i32
        %sub3A_241 = arith.constant 1 : i32
        %sub3A_242 = arith.subi %scan3A_233, %sub3A_241 : i32
        %select_n3A_243 = arith.constant true
        %select_n3A_244 = arith.select %select_n3A_243, %sub3A_242, %scan3A_233 : i32
        %eq3A_245 = arith.constant -1 : i32
        %eq3A_246 = arith.cmpi eq, %select_n3A_244, %eq3A_245 : i32
        %select_n3A_247 = arith.constant 1 : i32
        %select_n3A_248 = arith.select %eq3A_246, %select_n3A_247, %select_n3A_244 : i32
        %sub3A_249 = arith.constant 1 : i32
        %sub3A_250 = arith.subi %scan3A_232, %sub3A_249 : i32
        %select_n3A_251 = arith.select %eq3A_246, %sub3A_250, %scan3A_232 : i32
        %eq3A_252 = arith.constant -1 : i32
        %eq3A_253 = arith.cmpi eq, %select_n3A_251, %eq3A_252 : i32
        %select_n3A_254 = arith.constant 31 : i32
        %select_n3A_255 = arith.select %eq3A_253, %select_n3A_254, %select_n3A_251 : i32
        %add3A_256 = arith.addi %select_n3A_255, %mul3A_6 : i32
        %add3A_257 = arith.constant 0 : i32
        %add3A_258 = arith.addi %select_n3A_248, %add3A_257 : i32
        %add3A_259 = arith.constant 1 : i32
        %add3A_260 = arith.addi %scan3A_233, %add3A_259 : i32
        %select_n3A_261 = arith.constant true
        %select_n3A_262 = arith.select %select_n3A_261, %add3A_260, %scan3A_233 : i32
        %eq3A_263 = arith.constant 2 : i32
        %eq3A_264 = arith.cmpi eq, %select_n3A_262, %eq3A_263 : i32
        %select_n3A_265 = arith.constant 0 : i32
        %select_n3A_266 = arith.select %eq3A_264, %select_n3A_265, %select_n3A_262 : i32
        %add3A_267 = arith.constant 1 : i32
        %add3A_268 = arith.addi %scan3A_232, %add3A_267 : i32
        %select_n3A_269 = arith.select %eq3A_264, %add3A_268, %scan3A_232 : i32
        %eq3A_270 = arith.constant 32 : i32
        %eq3A_271 = arith.cmpi eq, %select_n3A_269, %eq3A_270 : i32
        %select_n3A_272 = arith.constant 0 : i32
        %select_n3A_273 = arith.select %eq3A_271, %select_n3A_272, %select_n3A_269 : i32
        %add3A_274 = arith.addi %select_n3A_273, %mul3A_6 : i32
        %add3A_275 = arith.constant 0 : i32
        %add3A_276 = arith.addi %select_n3A_266, %add3A_275 : i32
        %add3A_277 = arith.constant 1 : i32
        %add3A_278 = arith.addi %select_n3A_266, %add3A_277 : i32
        %select_n3A_279 = arith.constant true
        %select_n3A_280 = arith.select %select_n3A_279, %add3A_278, %select_n3A_266 : i32
        %eq3A_281 = arith.constant 2 : i32
        %eq3A_282 = arith.cmpi eq, %select_n3A_280, %eq3A_281 : i32
        %select_n3A_283 = arith.constant 0 : i32
        %select_n3A_284 = arith.select %eq3A_282, %select_n3A_283, %select_n3A_280 : i32
        %add3A_285 = arith.constant 1 : i32
        %add3A_286 = arith.addi %select_n3A_273, %add3A_285 : i32
        %select_n3A_287 = arith.select %eq3A_282, %add3A_286, %select_n3A_273 : i32
        %eq3A_288 = arith.constant 32 : i32
        %eq3A_289 = arith.cmpi eq, %select_n3A_287, %eq3A_288 : i32
        %select_n3A_290 = arith.constant 0 : i32
        %select_n3A_291 = arith.select %eq3A_289, %select_n3A_290, %select_n3A_287 : i32
        %add3A_292 = arith.addi %select_n3A_291, %mul3A_6 : i32
        %add3A_293 = arith.constant 0 : i32
        %add3A_294 = arith.addi %select_n3A_284, %add3A_293 : i32
        %ne3A_295 = arith.cmpi ne, %add3A_238, %add3A_274 : i32
        %ne3A_296 = arith.cmpi ne, %add3A_240, %add3A_276 : i32
        %or3A = arith.constant false
        %or3A_297 = arith.ori %or3A, %ne3A_295 : i1
        %or3A_298 = arith.ori %or3A_297, %ne3A_296 : i1
        %ge3A = arith.constant 63 : i32
        %ge3A_299 = arith.cmpi sge, %scan3A_225, %ge3A : i32
        %not3A = arith.constant true
        %not3A_300 = arith.xori %ge3A_299, %not3A : i1
        %and3A_301 = arith.andi %or3A_298, %not3A_300 : i1
        %convert_element_type3A = arith.extui %and3A_301 : i1 to i32
        %cond3A = arith.constant 0 : i32
        %cond3A_302 = arith.cmpi ne, %convert_element_type3A, %cond3A : i32
        scf.if %cond3A_302 {
          "tpu.trace_start"() <{level = 10 : i32, message = "ep_copy_in"}> : () -> ()
          %rem3A_645 = arith.constant 2 : i32
          %rem3A_646 = arith.remui %scan3A_226, %rem3A_645 : i32
          %mul3A_647 = arith.constant 32 : i32
          %mul3A_648 = arith.muli %mul3A_647, %add3A_274 : i32
          %mul3A_649 = arith.constant 512 : i32
          %mul3A_650 = arith.muli %mul3A_649, %add3A_276 : i32
          %dma_start3A_651 = arith.constant 0 : i32
          %dma_start3A_652 = arith.constant 0 : i32
          %dma_start3A_653 = tpu.memref_slice %run_scoped3A[%rem3A_646, %dma_start3A_651, %dma_start3A_652] : memref<2x32x512xf32, #tpu.memory_space<vmem>> -> memref<1x32x512xf32, #tpu.memory_space<vmem>>
          %dma_start3A_654 = tpu.memref_squeeze %dma_start3A_653 : memref<1x32x512xf32, #tpu.memory_space<vmem>> -> memref<32x512xf32, #tpu.memory_space<vmem>>
          %dma_start3A_655 = tpu.memref_slice %arg2[%mul3A_648, %mul3A_650] : memref<32768x1024xf32, #tpu.memory_space<hbm>> -> memref<32x512xf32, #tpu.memory_space<hbm>>
          %dma_start3A_656 = tpu.memref_slice %run_scoped3A_7[%rem3A_646] : memref<2x!tpu.dma_semaphore, #tpu.memory_space<semaphore_mem>> -> memref<1x!tpu.dma_semaphore, #tpu.memory_space<semaphore_mem>>
          %dma_start3A_657 = tpu.memref_squeeze %dma_start3A_656 : memref<1x!tpu.dma_semaphore, #tpu.memory_space<semaphore_mem>> -> memref<!tpu.dma_semaphore, #tpu.memory_space<semaphore_mem>>
          %dma_start3A_658 = arith.constant 0 : i32
          %dma_start3A_659 = arith.constant 0 : i32
          %dma_start3A_660 = tpu.memref_slice %run_scoped3A[%rem3A_646, %dma_start3A_658, %dma_start3A_659] : memref<2x32x512xf32, #tpu.memory_space<vmem>> -> memref<1x32x512xf32, #tpu.memory_space<vmem>>
          %dma_start3A_661 = tpu.memref_squeeze %dma_start3A_660 : memref<1x32x512xf32, #tpu.memory_space<vmem>> -> memref<32x512xf32, #tpu.memory_space<vmem>>
          %dma_start3A_662 = tpu.memref_slice %arg2[%mul3A_648, %mul3A_650] : memref<32768x1024xf32, #tpu.memory_space<hbm>> -> memref<32x512xf32, #tpu.memory_space<hbm>>
          tpu.enqueue_dma source(%dma_start3A_662 : memref<32x512xf32, #tpu.memory_space<hbm>>) target(%dma_start3A_661 : memref<32x512xf32, #tpu.memory_space<vmem>>) target_semaphore(%dma_start3A_657 : memref<!tpu.dma_semaphore, #tpu.memory_space<semaphore_mem>>)
          "tpu.trace_stop"() : () -> ()
        } else {
        }
        %and3A_303 = arith.constant true
        %and3A_304 = arith.andi %and3A_301, %and3A_303 : i1
        %add3A_305 = arith.constant 1 : i32
        %add3A_306 = arith.addi %scan3A_226, %add3A_305 : i32
        %select_n3A_307 = arith.select %and3A_304, %add3A_306, %scan3A_226 : i32
        %jit3A_308 = arith.constant 256 : i32
        %eq3A_309 = arith.constant 0 : i32
        %eq3A_310 = arith.cmpi eq, %jit3A_308, %eq3A_309 : i32
        %jit3A_311 = arith.constant 1 : i32
        %select_n3A_312 = arith.select %eq3A_310, %jit3A_311, %jit3A_308 : i32
        %rem3A_313 = arith.remsi %add3A_238, %select_n3A_312 : i32
        %ne3A_314 = arith.constant 0 : i32
        %ne3A_315 = arith.cmpi ne, %rem3A_313, %ne3A_314 : i32
        %lt3A_316 = arith.constant 0 : i32
        %lt3A_317 = arith.cmpi slt, %rem3A_313, %lt3A_316 : i32
        %lt3A_318 = arith.constant 0 : i32
        %lt3A_319 = arith.cmpi slt, %select_n3A_312, %lt3A_318 : i32
        %ne3A_320 = arith.xori %lt3A_317, %lt3A_319 : i1
        %and3A_321 = arith.andi %ne3A_320, %ne3A_315 : i1
        %add3A_322 = arith.addi %rem3A_313, %select_n3A_312 : i32
        %select_n3A_323 = arith.select %and3A_321, %add3A_322, %rem3A_313 : i32
        %jit3A_324 = arith.constant 256 : i32
        %eq3A_325 = arith.constant 0 : i32
        %eq3A_326 = arith.cmpi eq, %jit3A_324, %eq3A_325 : i32
        %jit3A_327 = arith.constant 1 : i32
        %select_n3A_328 = arith.select %eq3A_326, %jit3A_327, %jit3A_324 : i32
        %rem3A_329 = arith.remsi %add3A_274, %select_n3A_328 : i32
        %ne3A_330 = arith.constant 0 : i32
        %ne3A_331 = arith.cmpi ne, %rem3A_329, %ne3A_330 : i32
        %lt3A_332 = arith.constant 0 : i32
        %lt3A_333 = arith.cmpi slt, %rem3A_329, %lt3A_332 : i32
        %lt3A_334 = arith.constant 0 : i32
        %lt3A_335 = arith.cmpi slt, %select_n3A_328, %lt3A_334 : i32
        %ne3A_336 = arith.xori %lt3A_333, %lt3A_335 : i1
        %and3A_337 = arith.andi %ne3A_336, %ne3A_331 : i1
        %add3A_338 = arith.addi %rem3A_329, %select_n3A_328 : i32
        %select_n3A_339 = arith.select %and3A_337, %add3A_338, %rem3A_329 : i32
        %ne3A_340 = arith.cmpi ne, %select_n3A_323, %select_n3A_339 : i32
        %ne3A_341 = arith.cmpi ne, %add3A_240, %add3A_276 : i32
        %or3A_342 = arith.constant false
        %or3A_343 = arith.ori %or3A_342, %ne3A_340 : i1
        %or3A_344 = arith.ori %or3A_343, %ne3A_341 : i1
        %ge3A_345 = arith.constant 63 : i32
        %ge3A_346 = arith.cmpi sge, %scan3A_225, %ge3A_345 : i32
        %not3A_347 = arith.constant true
        %not3A_348 = arith.xori %ge3A_346, %not3A_347 : i1
        %and3A_349 = arith.andi %or3A_344, %not3A_348 : i1
        %convert_element_type3A_350 = arith.extui %and3A_349 : i1 to i32
        %cond3A_351 = arith.constant 0 : i32
        %cond3A_352 = arith.cmpi ne, %convert_element_type3A_350, %cond3A_351 : i32
        scf.if %cond3A_352 {
          "tpu.trace_start"() <{level = 10 : i32, message = "ep_copy_in"}> : () -> ()
          %rem3A_645 = arith.constant 2 : i32
          %rem3A_646 = arith.remui %scan3A_228, %rem3A_645 : i32
          %jit3A_647 = arith.constant 256 : i32
          %eq3A_648 = arith.constant 0 : i32
          %eq3A_649 = arith.cmpi eq, %jit3A_647, %eq3A_648 : i32
          %jit3A_650 = arith.constant 1 : i32
          %select_n3A_651 = arith.select %eq3A_649, %jit3A_650, %jit3A_647 : i32
          %rem3A_652 = arith.remsi %add3A_274, %select_n3A_651 : i32
          %ne3A_653 = arith.constant 0 : i32
          %ne3A_654 = arith.cmpi ne, %rem3A_652, %ne3A_653 : i32
          %lt3A_655 = arith.constant 0 : i32
          %lt3A_656 = arith.cmpi slt, %rem3A_652, %lt3A_655 : i32
          %lt3A_657 = arith.constant 0 : i32
          %lt3A_658 = arith.cmpi slt, %select_n3A_651, %lt3A_657 : i32
          %ne3A_659 = arith.xori %lt3A_656, %lt3A_658 : i1
          %and3A_660 = arith.andi %ne3A_659, %ne3A_654 : i1
          %add3A_661 = arith.addi %rem3A_652, %select_n3A_651 : i32
          %select_n3A_662 = arith.select %and3A_660, %add3A_661, %rem3A_652 : i32
          %mul3A_663 = arith.constant 32 : i32
          %mul3A_664 = arith.muli %mul3A_663, %select_n3A_662 : i32
          %mul3A_665 = arith.constant 512 : i32
          %mul3A_666 = arith.muli %mul3A_665, %add3A_276 : i32
          %dma_start3A_667 = arith.constant 0 : i32
          %dma_start3A_668 = arith.constant 0 : i32
          %dma_start3A_669 = tpu.memref_slice %run_scoped3A_8[%rem3A_646, %dma_start3A_667, %dma_start3A_668] : memref<2x32x512xf32, #tpu.memory_space<vmem>> -> memref<1x32x512xf32, #tpu.memory_space<vmem>>
          %dma_start3A_670 = tpu.memref_squeeze %dma_start3A_669 : memref<1x32x512xf32, #tpu.memory_space<vmem>> -> memref<32x512xf32, #tpu.memory_space<vmem>>
          %dma_start3A_671 = tpu.memref_slice %arg3[%mul3A_664, %mul3A_666] : memref<8192x1024xf32, #tpu.memory_space<hbm>> -> memref<32x512xf32, #tpu.memory_space<hbm>>
          %dma_start3A_672 = tpu.memref_slice %run_scoped3A_9[%rem3A_646] : memref<2x!tpu.dma_semaphore, #tpu.memory_space<semaphore_mem>> -> memref<1x!tpu.dma_semaphore, #tpu.memory_space<semaphore_mem>>
          %dma_start3A_673 = tpu.memref_squeeze %dma_start3A_672 : memref<1x!tpu.dma_semaphore, #tpu.memory_space<semaphore_mem>> -> memref<!tpu.dma_semaphore, #tpu.memory_space<semaphore_mem>>
          %dma_start3A_674 = arith.constant 0 : i32
          %dma_start3A_675 = arith.constant 0 : i32
          %dma_start3A_676 = tpu.memref_slice %run_scoped3A_8[%rem3A_646, %dma_start3A_674, %dma_start3A_675] : memref<2x32x512xf32, #tpu.memory_space<vmem>> -> memref<1x32x512xf32, #tpu.memory_space<vmem>>
          %dma_start3A_677 = tpu.memref_squeeze %dma_start3A_676 : memref<1x32x512xf32, #tpu.memory_space<vmem>> -> memref<32x512xf32, #tpu.memory_space<vmem>>
          %dma_start3A_678 = tpu.memref_slice %arg3[%mul3A_664, %mul3A_666] : memref<8192x1024xf32, #tpu.memory_space<hbm>> -> memref<32x512xf32, #tpu.memory_space<hbm>>
          tpu.enqueue_dma source(%dma_start3A_678 : memref<32x512xf32, #tpu.memory_space<hbm>>) target(%dma_start3A_677 : memref<32x512xf32, #tpu.memory_space<vmem>>) target_semaphore(%dma_start3A_673 : memref<!tpu.dma_semaphore, #tpu.memory_space<semaphore_mem>>)
          "tpu.trace_stop"() : () -> ()
        } else {
        }
        %and3A_353 = arith.constant true
        %and3A_354 = arith.andi %and3A_349, %and3A_353 : i1
        %add3A_355 = arith.constant 1 : i32
        %add3A_356 = arith.addi %scan3A_228, %add3A_355 : i32
        %select_n3A_357 = arith.select %and3A_354, %add3A_356, %scan3A_228 : i32
        %ne3A_358 = arith.cmpi ne, %add3A_238, %add3A_274 : i32
        %ne3A_359 = arith.cmpi ne, %add3A_240, %add3A_276 : i32
        %or3A_360 = arith.constant false
        %or3A_361 = arith.ori %or3A_360, %ne3A_358 : i1
        %or3A_362 = arith.ori %or3A_361, %ne3A_359 : i1
        %ge3A_363 = arith.constant 63 : i32
        %ge3A_364 = arith.cmpi sge, %scan3A_225, %ge3A_363 : i32
        %not3A_365 = arith.constant true
        %not3A_366 = arith.xori %ge3A_364, %not3A_365 : i1
        %and3A_367 = arith.andi %or3A_362, %not3A_366 : i1
        %ne3A_368 = arith.cmpi ne, %add3A_238, %add3A_256 : i32
        %ne3A_369 = arith.cmpi ne, %add3A_240, %add3A_258 : i32
        %or3A_370 = arith.constant false
        %or3A_371 = arith.ori %or3A_370, %ne3A_368 : i1
        %or3A_372 = arith.ori %or3A_371, %ne3A_369 : i1
        %or3A_373 = arith.ori %or3A_372, %eq3A_235 : i1
        %convert_element_type3A_374 = arith.extui %or3A_373 : i1 to i32
        %cond3A_375 = arith.constant 0 : i32
        %cond3A_376 = arith.cmpi ne, %convert_element_type3A_374, %cond3A_375 : i32
        scf.if %cond3A_376 {
          "tpu.trace_start"() <{level = 10 : i32, message = "ep_wait_in"}> : () -> ()
          %mul3A_645 = arith.constant 32 : i32
          %mul3A_646 = arith.muli %mul3A_645, %add3A_238 : i32
          %mul3A_647 = arith.constant 512 : i32
          %mul3A_648 = arith.muli %mul3A_647, %add3A_240 : i32
          %rem3A_649 = arith.constant 2 : i32
          %rem3A_650 = arith.remui %scan3A_227, %rem3A_649 : i32
          %dma_wait3A_651 = arith.constant 0 : i32
          %dma_wait3A_652 = arith.constant 0 : i32
          %dma_wait3A_653 = tpu.memref_slice %run_scoped3A[%rem3A_650, %dma_wait3A_651, %dma_wait3A_652] : memref<2x32x512xf32, #tpu.memory_space<vmem>> -> memref<1x32x512xf32, #tpu.memory_space<vmem>>
          %dma_wait3A_654 = tpu.memref_squeeze %dma_wait3A_653 : memref<1x32x512xf32, #tpu.memory_space<vmem>> -> memref<32x512xf32, #tpu.memory_space<vmem>>
          %dma_wait3A_655 = tpu.memref_slice %arg2[%mul3A_646, %mul3A_648] : memref<32768x1024xf32, #tpu.memory_space<hbm>> -> memref<32x512xf32, #tpu.memory_space<hbm>>
          %dma_wait3A_656 = tpu.memref_slice %run_scoped3A_7[%rem3A_650] : memref<2x!tpu.dma_semaphore, #tpu.memory_space<semaphore_mem>> -> memref<1x!tpu.dma_semaphore, #tpu.memory_space<semaphore_mem>>
          %dma_wait3A_657 = tpu.memref_squeeze %dma_wait3A_656 : memref<1x!tpu.dma_semaphore, #tpu.memory_space<semaphore_mem>> -> memref<!tpu.dma_semaphore, #tpu.memory_space<semaphore_mem>>
          %dma_wait3A_658 = arith.constant 0 : i32
          %dma_wait3A_659 = arith.constant 0 : i32
          %dma_wait3A_660 = tpu.memref_slice %run_scoped3A[%rem3A_650, %dma_wait3A_658, %dma_wait3A_659] : memref<2x32x512xf32, #tpu.memory_space<vmem>> -> memref<1x32x512xf32, #tpu.memory_space<vmem>>
          %dma_wait3A_661 = tpu.memref_squeeze %dma_wait3A_660 : memref<1x32x512xf32, #tpu.memory_space<vmem>> -> memref<32x512xf32, #tpu.memory_space<vmem>>
          %dma_wait3A_662 = tpu.memref_slice %arg2[%mul3A_646, %mul3A_648] : memref<32768x1024xf32, #tpu.memory_space<hbm>> -> memref<32x512xf32, #tpu.memory_space<hbm>>
          tpu.wait_dma2 semaphore(%dma_wait3A_657 : memref<!tpu.dma_semaphore, #tpu.memory_space<semaphore_mem>>) src(%dma_wait3A_662 : memref<32x512xf32, #tpu.memory_space<hbm>>) dst(%dma_wait3A_661 : memref<32x512xf32, #tpu.memory_space<vmem>>)
          "tpu.trace_stop"() : () -> ()
        } else {
        }
        %jit3A_377 = arith.constant 256 : i32
        %eq3A_378 = arith.constant 0 : i32
        %eq3A_379 = arith.cmpi eq, %jit3A_377, %eq3A_378 : i32
        %jit3A_380 = arith.constant 1 : i32
        %select_n3A_381 = arith.select %eq3A_379, %jit3A_380, %jit3A_377 : i32
        %rem3A_382 = arith.remsi %add3A_238, %select_n3A_381 : i32
        %ne3A_383 = arith.constant 0 : i32
        %ne3A_384 = arith.cmpi ne, %rem3A_382, %ne3A_383 : i32
        %lt3A_385 = arith.constant 0 : i32
        %lt3A_386 = arith.cmpi slt, %rem3A_382, %lt3A_385 : i32
        %lt3A_387 = arith.constant 0 : i32
        %lt3A_388 = arith.cmpi slt, %select_n3A_381, %lt3A_387 : i32
        %ne3A_389 = arith.xori %lt3A_386, %lt3A_388 : i1
        %and3A_390 = arith.andi %ne3A_389, %ne3A_384 : i1
        %add3A_391 = arith.addi %rem3A_382, %select_n3A_381 : i32
        %select_n3A_392 = arith.select %and3A_390, %add3A_391, %rem3A_382 : i32
        %jit3A_393 = arith.constant 256 : i32
        %eq3A_394 = arith.constant 0 : i32
        %eq3A_395 = arith.cmpi eq, %jit3A_393, %eq3A_394 : i32
        %jit3A_396 = arith.constant 1 : i32
        %select_n3A_397 = arith.select %eq3A_395, %jit3A_396, %jit3A_393 : i32
        %rem3A_398 = arith.remsi %add3A_256, %select_n3A_397 : i32
        %ne3A_399 = arith.constant 0 : i32
        %ne3A_400 = arith.cmpi ne, %rem3A_398, %ne3A_399 : i32
        %lt3A_401 = arith.constant 0 : i32
        %lt3A_402 = arith.cmpi slt, %rem3A_398, %lt3A_401 : i32
        %lt3A_403 = arith.constant 0 : i32
        %lt3A_404 = arith.cmpi slt, %select_n3A_397, %lt3A_403 : i32
        %ne3A_405 = arith.xori %lt3A_402, %lt3A_404 : i1
        %and3A_406 = arith.andi %ne3A_405, %ne3A_400 : i1
        %add3A_407 = arith.addi %rem3A_398, %select_n3A_397 : i32
        %select_n3A_408 = arith.select %and3A_406, %add3A_407, %rem3A_398 : i32
        %ne3A_409 = arith.cmpi ne, %select_n3A_392, %select_n3A_408 : i32
        %ne3A_410 = arith.cmpi ne, %add3A_240, %add3A_258 : i32
        %or3A_411 = arith.constant false
        %or3A_412 = arith.ori %or3A_411, %ne3A_409 : i1
        %or3A_413 = arith.ori %or3A_412, %ne3A_410 : i1
        %or3A_414 = arith.ori %or3A_413, %eq3A_235 : i1
        %convert_element_type3A_415 = arith.extui %or3A_414 : i1 to i32
        %cond3A_416 = arith.constant 0 : i32
        %cond3A_417 = arith.cmpi ne, %convert_element_type3A_415, %cond3A_416 : i32
        scf.if %cond3A_417 {
          %jit3A_645 = arith.constant 256 : i32
          "tpu.trace_start"() <{level = 10 : i32, message = "ep_wait_in"}> : () -> ()
          %eq3A_646 = arith.constant 0 : i32
          %eq3A_647 = arith.cmpi eq, %jit3A_645, %eq3A_646 : i32
          %jit3A_648 = arith.constant 1 : i32
          %select_n3A_649 = arith.select %eq3A_647, %jit3A_648, %jit3A_645 : i32
          %rem3A_650 = arith.remsi %add3A_238, %select_n3A_649 : i32
          %ne3A_651 = arith.constant 0 : i32
          %ne3A_652 = arith.cmpi ne, %rem3A_650, %ne3A_651 : i32
          %lt3A_653 = arith.constant 0 : i32
          %lt3A_654 = arith.cmpi slt, %rem3A_650, %lt3A_653 : i32
          %lt3A_655 = arith.constant 0 : i32
          %lt3A_656 = arith.cmpi slt, %select_n3A_649, %lt3A_655 : i32
          %ne3A_657 = arith.xori %lt3A_654, %lt3A_656 : i1
          %and3A_658 = arith.andi %ne3A_657, %ne3A_652 : i1
          %add3A_659 = arith.addi %rem3A_650, %select_n3A_649 : i32
          %select_n3A_660 = arith.select %and3A_658, %add3A_659, %rem3A_650 : i32
          %mul3A_661 = arith.constant 32 : i32
          %mul3A_662 = arith.muli %mul3A_661, %select_n3A_660 : i32
          %mul3A_663 = arith.constant 512 : i32
          %mul3A_664 = arith.muli %mul3A_663, %add3A_240 : i32
          %rem3A_665 = arith.constant 2 : i32
          %rem3A_666 = arith.remui %scan3A_229, %rem3A_665 : i32
          %dma_wait3A_667 = arith.constant 0 : i32
          %dma_wait3A_668 = arith.constant 0 : i32
          %dma_wait3A_669 = tpu.memref_slice %run_scoped3A_8[%rem3A_666, %dma_wait3A_667, %dma_wait3A_668] : memref<2x32x512xf32, #tpu.memory_space<vmem>> -> memref<1x32x512xf32, #tpu.memory_space<vmem>>
          %dma_wait3A_670 = tpu.memref_squeeze %dma_wait3A_669 : memref<1x32x512xf32, #tpu.memory_space<vmem>> -> memref<32x512xf32, #tpu.memory_space<vmem>>
          %dma_wait3A_671 = tpu.memref_slice %arg3[%mul3A_662, %mul3A_664] : memref<8192x1024xf32, #tpu.memory_space<hbm>> -> memref<32x512xf32, #tpu.memory_space<hbm>>
          %dma_wait3A_672 = tpu.memref_slice %run_scoped3A_9[%rem3A_666] : memref<2x!tpu.dma_semaphore, #tpu.memory_space<semaphore_mem>> -> memref<1x!tpu.dma_semaphore, #tpu.memory_space<semaphore_mem>>
          %dma_wait3A_673 = tpu.memref_squeeze %dma_wait3A_672 : memref<1x!tpu.dma_semaphore, #tpu.memory_space<semaphore_mem>> -> memref<!tpu.dma_semaphore, #tpu.memory_space<semaphore_mem>>
          %dma_wait3A_674 = arith.constant 0 : i32
          %dma_wait3A_675 = arith.constant 0 : i32
          %dma_wait3A_676 = tpu.memref_slice %run_scoped3A_8[%rem3A_666, %dma_wait3A_674, %dma_wait3A_675] : memref<2x32x512xf32, #tpu.memory_space<vmem>> -> memref<1x32x512xf32, #tpu.memory_space<vmem>>
          %dma_wait3A_677 = tpu.memref_squeeze %dma_wait3A_676 : memref<1x32x512xf32, #tpu.memory_space<vmem>> -> memref<32x512xf32, #tpu.memory_space<vmem>>
          %dma_wait3A_678 = tpu.memref_slice %arg3[%mul3A_662, %mul3A_664] : memref<8192x1024xf32, #tpu.memory_space<hbm>> -> memref<32x512xf32, #tpu.memory_space<hbm>>
          tpu.wait_dma2 semaphore(%dma_wait3A_673 : memref<!tpu.dma_semaphore, #tpu.memory_space<semaphore_mem>>) src(%dma_wait3A_678 : memref<32x512xf32, #tpu.memory_space<hbm>>) dst(%dma_wait3A_677 : memref<32x512xf32, #tpu.memory_space<vmem>>)
          "tpu.trace_stop"() : () -> ()
        } else {
        }
        %ne3A_418 = arith.cmpi ne, %add3A_238, %add3A_256 : i32
        %ne3A_419 = arith.cmpi ne, %add3A_240, %add3A_258 : i32
        %or3A_420 = arith.constant false
        %or3A_421 = arith.ori %or3A_420, %ne3A_418 : i1
        %or3A_422 = arith.ori %or3A_421, %ne3A_419 : i1
        %or3A_423 = arith.ori %or3A_422, %eq3A_235 : i1
        %convert_element_type3A_424 = arith.extui %or3A_423 : i1 to i32
        %cond3A_425 = arith.constant 0 : i32
        %cond3A_426 = arith.cmpi ne, %convert_element_type3A_424, %cond3A_425 : i32
        scf.if %cond3A_426 {
        } else {
        }
        %rem3A_427 = arith.constant 2 : i32
        %rem3A_428 = arith.remui %scan3A_227, %rem3A_427 : i32
        %rem3A_429 = arith.constant 2 : i32
        %rem3A_430 = arith.remui %scan3A_229, %rem3A_429 : i32
        %rem3A_431 = arith.constant 2 : i32
        %rem3A_432 = arith.remui %scan3A_230, %rem3A_431 : i32
        "tpu.trace_start"() <{level = 10 : i32, message = "ep_run_kernel"}> : () -> ()
        %scan3A_433 = arith.constant 0 : i32
        %scan3A_434 = arith.constant 32 : i32
        %scan3A_435 = arith.addi %scan3A_433, %scan3A_434 : i32
        %scan3A_436 = arith.constant 1 : i32
        scf.for %scan3A_645 = %scan3A_433 to %scan3A_435 step %scan3A_436  : i32 {
          %mul3A_646 = arith.constant 1 : i32
          %mul3A_647 = arith.muli %scan3A_645, %mul3A_646 : i32
          %add3A_648 = arith.constant 0 : i32
          %add3A_649 = arith.addi %add3A_648, %mul3A_647 : i32
          %scan3A_650 = arith.constant 0 : i32
          %scan3A_651 = arith.constant 2 : i32
          %scan3A_652 = arith.addi %scan3A_650, %scan3A_651 : i32
          %scan3A_653 = arith.constant 1 : i32
          scf.for %scan3A_655 = %scan3A_650 to %scan3A_652 step %scan3A_653  : i32 {
            %mul3A_656 = arith.constant 256 : i32
            %mul3A_657 = arith.muli %scan3A_655, %mul3A_656 : i32
            %add3A_658 = arith.constant 0 : i32
            %add3A_659 = arith.addi %add3A_658, %mul3A_657 : i32
            %add3A_660 = arith.constant 0 : i32
            %add3A_661 = arith.addi %add3A_659, %add3A_660 : i32
            %get3A = arith.constant 0 : i32
            %get3A_662 = arith.constant 0 : i32
            %get3A_663 = tpu.memref_slice %run_scoped3A[%rem3A_428, %get3A, %get3A_662] : memref<2x32x512xf32, #tpu.memory_space<vmem>> -> memref<1x32x512xf32, #tpu.memory_space<vmem>>
            %get3A_664 = tpu.memref_squeeze %get3A_663 : memref<1x32x512xf32, #tpu.memory_space<vmem>> -> memref<32x512xf32, #tpu.memory_space<vmem>>
            %get3A_665 = arith.index_cast %add3A_649 : i32 to index
            %get3A_666 = arith.index_cast %add3A_661 : i32 to index
            %get3A_667 = tpu.vector_load %get3A_664[%get3A_665, %get3A_666] {strides = array<i32>} : memref<32x512xf32, #tpu.memory_space<vmem>>, vector<1x16xf32>,
            %get3A_668 = vector.shape_cast %get3A_667 : vector<1x16xf32> to vector<1x16xf32>
            %get3A_669 = arith.constant 0 : i32
            %get3A_670 = arith.constant 0 : i32
            %get3A_671 = tpu.memref_slice %run_scoped3A_8[%rem3A_430, %get3A_669, %get3A_670] : memref<2x32x512xf32, #tpu.memory_space<vmem>> -> memref<1x32x512xf32, #tpu.memory_space<vmem>>
            %get3A_672 = tpu.memref_squeeze %get3A_671 : memref<1x32x512xf32, #tpu.memory_space<vmem>> -> memref<32x512xf32, #tpu.memory_space<vmem>>
            %get3A_673 = arith.index_cast %add3A_649 : i32 to index
            %get3A_674 = arith.index_cast %add3A_661 : i32 to index
            %get3A_675 = tpu.vector_load %get3A_672[%get3A_673, %get3A_674] {strides = array<i32>} : memref<32x512xf32, #tpu.memory_space<vmem>>, vector<1x16xf32>,
            %get3A_676 = vector.shape_cast %get3A_675 : vector<1x16xf32> to vector<1x16xf32>
            %add3A_677 = arith.addf %get3A_668, %get3A_676 : vector<1x16xf32>
            %swap3A = arith.constant 0 : i32
            %swap3A_678 = arith.constant 0 : i32
            %swap3A_679 = tpu.memref_slice %run_scoped3A_10[%rem3A_432, %swap3A, %swap3A_678] : memref<2x32x512xf32, #tpu.memory_space<vmem>> -> memref<1x32x512xf32, #tpu.memory_space<vmem>>
            %swap3A_680 = tpu.memref_squeeze %swap3A_679 : memref<1x32x512xf32, #tpu.memory_space<vmem>> -> memref<32x512xf32, #tpu.memory_space<vmem>>
            %swap3A_681 = arith.index_cast %add3A_649 : i32 to index
            %swap3A_682 = arith.index_cast %add3A_661 : i32 to index
            %swap3A_683 = tpu.vector_load %swap3A_680[%swap3A_681, %swap3A_682] {strides = array<i32>} : memref<32x512xf32, #tpu.memory_space<vmem>>, vector<1x16xf32>,
            %swap3A_684 = vector.shape_cast %swap3A_683 : vector<1x16xf32> to vector<1x16xf32>
            %swap3A_685 = vector.shape_cast %add3A_677 : vector<1x16xf32> to vector<1x16xf32>
            tpu.vector_store %swap3A_680[%swap3A_681, %swap3A_682], %swap3A_685 {strides = array<i32>} : memref<32x512xf32, #tpu.memory_space<vmem>>, vector<1x16xf32>,
            %add3A_686 = arith.constant 16 : i32
            %add3A_687 = arith.addi %add3A_659, %add3A_686 : i32
            %get3A_688 = arith.constant 0 : i32
            %get3A_689 = arith.constant 0 : i32
            %get3A_690 = tpu.memref_slice %run_scoped3A[%rem3A_428, %get3A_688, %get3A_689] : memref<2x32x512xf32, #tpu.memory_space<vmem>> -> memref<1x32x512xf32, #tpu.memory_space<vmem>>
            %get3A_691 = tpu.memref_squeeze %get3A_690 : memref<1x32x512xf32, #tpu.memory_space<vmem>> -> memref<32x512xf32, #tpu.memory_space<vmem>>
            %get3A_692 = arith.index_cast %add3A_649 : i32 to index
            %get3A_693 = arith.index_cast %add3A_687 : i32 to index
            %get3A_694 = tpu.vector_load %get3A_691[%get3A_692, %get3A_693] {strides = array<i32>} : memref<32x512xf32, #tpu.memory_space<vmem>>, vector<1x16xf32>,
            %get3A_695 = vector.shape_cast %get3A_694 : vector<1x16xf32> to vector<1x16xf32>
            %get3A_696 = arith.constant 0 : i32
            %get3A_697 = arith.constant 0 : i32
            %get3A_698 = tpu.memref_slice %run_scoped3A_8[%rem3A_430, %get3A_696, %get3A_697] : memref<2x32x512xf32, #tpu.memory_space<vmem>> -> memref<1x32x512xf32, #tpu.memory_space<vmem>>
            %get3A_699 = tpu.memref_squeeze %get3A_698 : memref<1x32x512xf32, #tpu.memory_space<vmem>> -> memref<32x512xf32, #tpu.memory_space<vmem>>
            %get3A_700 = arith.index_cast %add3A_649 : i32 to index
            %get3A_701 = arith.index_cast %add3A_687 : i32 to index
            %get3A_702 = tpu.vector_load %get3A_699[%get3A_700, %get3A_701] {strides = array<i32>} : memref<32x512xf32, #tpu.memory_space<vmem>>, vector<1x16xf32>,
            %get3A_703 = vector.shape_cast %get3A_702 : vector<1x16xf32> to vector<1x16xf32>
            %add3A_704 = arith.addf %get3A_695, %get3A_703 : vector<1x16xf32>
            %swap3A_705 = arith.constant 0 : i32
            %swap3A_706 = arith.constant 0 : i32
            %swap3A_707 = tpu.memref_slice %run_scoped3A_10[%rem3A_432, %swap3A_705, %swap3A_706] : memref<2x32x512xf32, #tpu.memory_space<vmem>> -> memref<1x32x512xf32, #tpu.memory_space<vmem>>
            %swap3A_708 = tpu.memref_squeeze %swap3A_707 : memref<1x32x512xf32, #tpu.memory_space<vmem>> -> memref<32x512xf32, #tpu.memory_space<vmem>>
            %swap3A_709 = arith.index_cast %add3A_649 : i32 to index
            %swap3A_710 = arith.index_cast %add3A_687 : i32 to index
            %swap3A_711 = tpu.vector_load %swap3A_708[%swap3A_709, %swap3A_710] {strides = array<i32>} : memref<32x512xf32, #tpu.memory_space<vmem>>, vector<1x16xf32>,
            %swap3A_712 = vector.shape_cast %swap3A_711 : vector<1x16xf32> to vector<1x16xf32>
            %swap3A_713 = vector.shape_cast %add3A_704 : vector<1x16xf32> to vector<1x16xf32>
            tpu.vector_store %swap3A_708[%swap3A_709, %swap3A_710], %swap3A_713 {strides = array<i32>} : memref<32x512xf32, #tpu.memory_space<vmem>>, vector<1x16xf32>,
            %add3A_714 = arith.constant 32 : i32
            %add3A_715 = arith.addi %add3A_659, %add3A_714 : i32
            %get3A_716 = arith.constant 0 : i32
            %get3A_717 = arith.constant 0 : i32
            %get3A_718 = tpu.memref_slice %run_scoped3A[%rem3A_428, %get3A_716, %get3A_717] : memref<2x32x512xf32, #tpu.memory_space<vmem>> -> memref<1x32x512xf32, #tpu.memory_space<vmem>>
            %get3A_719 = tpu.memref_squeeze %get3A_718 : memref<1x32x512xf32, #tpu.memory_space<vmem>> -> memref<32x512xf32, #tpu.memory_space<vmem>>
            %get3A_720 = arith.index_cast %add3A_649 : i32 to index
            %get3A_721 = arith.index_cast %add3A_715 : i32 to index
            %get3A_722 = tpu.vector_load %get3A_719[%get3A_720, %get3A_721] {strides = array<i32>} : memref<32x512xf32, #tpu.memory_space<vmem>>, vector<1x16xf32>,
            %get3A_723 = vector.shape_cast %get3A_722 : vector<1x16xf32> to vector<1x16xf32>
            %get3A_724 = arith.constant 0 : i32
            %get3A_725 = arith.constant 0 : i32
            %get3A_726 = tpu.memref_slice %run_scoped3A_8[%rem3A_430, %get3A_724, %get3A_725] : memref<2x32x512xf32, #tpu.memory_space<vmem>> -> memref<1x32x512xf32, #tpu.memory_space<vmem>>
            %get3A_727 = tpu.memref_squeeze %get3A_726 : memref<1x32x512xf32, #tpu.memory_space<vmem>> -> memref<32x512xf32, #tpu.memory_space<vmem>>
            %get3A_728 = arith.index_cast %add3A_649 : i32 to index
            %get3A_729 = arith.index_cast %add3A_715 : i32 to index
            %get3A_730 = tpu.vector_load %get3A_727[%get3A_728, %get3A_729] {strides = array<i32>} : memref<32x512xf32, #tpu.memory_space<vmem>>, vector<1x16xf32>,
            %get3A_731 = vector.shape_cast %get3A_730 : vector<1x16xf32> to vector<1x16xf32>
            %add3A_732 = arith.addf %get3A_723, %get3A_731 : vector<1x16xf32>
            %swap3A_733 = arith.constant 0 : i32
            %swap3A_734 = arith.constant 0 : i32
            %swap3A_735 = tpu.memref_slice %run_scoped3A_10[%rem3A_432, %swap3A_733, %swap3A_734] : memref<2x32x512xf32, #tpu.memory_space<vmem>> -> memref<1x32x512xf32, #tpu.memory_space<vmem>>
            %swap3A_736 = tpu.memref_squeeze %swap3A_735 : memref<1x32x512xf32, #tpu.memory_space<vmem>> -> memref<32x512xf32, #tpu.memory_space<vmem>>
            %swap3A_737 = arith.index_cast %add3A_649 : i32 to index
            %swap3A_738 = arith.index_cast %add3A_715 : i32 to index
            %swap3A_739 = tpu.vector_load %swap3A_736[%swap3A_737, %swap3A_738] {strides = array<i32>} : memref<32x512xf32, #tpu.memory_space<vmem>>, vector<1x16xf32>,
            %swap3A_740 = vector.shape_cast %swap3A_739 : vector<1x16xf32> to vector<1x16xf32>
            %swap3A_741 = vector.shape_cast %add3A_732 : vector<1x16xf32> to vector<1x16xf32>
            tpu.vector_store %swap3A_736[%swap3A_737, %swap3A_738], %swap3A_741 {strides = array<i32>} : memref<32x512xf32, #tpu.memory_space<vmem>>, vector<1x16xf32>,
            %add3A_742 = arith.constant 48 : i32
            %add3A_743 = arith.addi %add3A_659, %add3A_742 : i32
            %get3A_744 = arith.constant 0 : i32
            %get3A_745 = arith.constant 0 : i32
            %get3A_746 = tpu.memref_slice %run_scoped3A[%rem3A_428, %get3A_744, %get3A_745] : memref<2x32x512xf32, #tpu.memory_space<vmem>> -> memref<1x32x512xf32, #tpu.memory_space<vmem>>
            %get3A_747 = tpu.memref_squeeze %get3A_746 : memref<1x32x512xf32, #tpu.memory_space<vmem>> -> memref<32x512xf32, #tpu.memory_space<vmem>>
            %get3A_748 = arith.index_cast %add3A_649 : i32 to index
            %get3A_749 = arith.index_cast %add3A_743 : i32 to index
            %get3A_750 = tpu.vector_load %get3A_747[%get3A_748, %get3A_749] {strides = array<i32>} : memref<32x512xf32, #tpu.memory_space<vmem>>, vector<1x16xf32>,
            %get3A_751 = vector.shape_cast %get3A_750 : vector<1x16xf32> to vector<1x16xf32>
            %get3A_752 = arith.constant 0 : i32
            %get3A_753 = arith.constant 0 : i32
            %get3A_754 = tpu.memref_slice %run_scoped3A_8[%rem3A_430, %get3A_752, %get3A_753] : memref<2x32x512xf32, #tpu.memory_space<vmem>> -> memref<1x32x512xf32, #tpu.memory_space<vmem>>
            %get3A_755 = tpu.memref_squeeze %get3A_754 : memref<1x32x512xf32, #tpu.memory_space<vmem>> -> memref<32x512xf32, #tpu.memory_space<vmem>>
            %get3A_756 = arith.index_cast %add3A_649 : i32 to index
            %get3A_757 = arith.index_cast %add3A_743 : i32 to index
            %get3A_758 = tpu.vector_load %get3A_755[%get3A_756, %get3A_757] {strides = array<i32>} : memref<32x512xf32, #tpu.memory_space<vmem>>, vector<1x16xf32>,
            %get3A_759 = vector.shape_cast %get3A_758 : vector<1x16xf32> to vector<1x16xf32>
            %add3A_760 = arith.addf %get3A_751, %get3A_759 : vector<1x16xf32>
            %swap3A_761 = arith.constant 0 : i32
            %swap3A_762 = arith.constant 0 : i32
            %swap3A_763 = tpu.memref_slice %run_scoped3A_10[%rem3A_432, %swap3A_761, %swap3A_762] : memref<2x32x512xf32, #tpu.memory_space<vmem>> -> memref<1x32x512xf32, #tpu.memory_space<vmem>>
            %swap3A_764 = tpu.memref_squeeze %swap3A_763 : memref<1x32x512xf32, #tpu.memory_space<vmem>> -> memref<32x512xf32, #tpu.memory_space<vmem>>
            %swap3A_765 = arith.index_cast %add3A_649 : i32 to index
            %swap3A_766 = arith.index_cast %add3A_743 : i32 to index
            %swap3A_767 = tpu.vector_load %swap3A_764[%swap3A_765, %swap3A_766] {strides = array<i32>} : memref<32x512xf32, #tpu.memory_space<vmem>>, vector<1x16xf32>,
            %swap3A_768 = vector.shape_cast %swap3A_767 : vector<1x16xf32> to vector<1x16xf32>
            %swap3A_769 = vector.shape_cast %add3A_760 : vector<1x16xf32> to vector<1x16xf32>
            tpu.vector_store %swap3A_764[%swap3A_765, %swap3A_766], %swap3A_769 {strides = array<i32>} : memref<32x512xf32, #tpu.memory_space<vmem>>, vector<1x16xf32>,
            %add3A_770 = arith.constant 64 : i32
            %add3A_771 = arith.addi %add3A_659, %add3A_770 : i32
            %get3A_772 = arith.constant 0 : i32
            %get3A_773 = arith.constant 0 : i32
            %get3A_774 = tpu.memref_slice %run_scoped3A[%rem3A_428, %get3A_772, %get3A_773] : memref<2x32x512xf32, #tpu.memory_space<vmem>> -> memref<1x32x512xf32, #tpu.memory_space<vmem>>
            %get3A_775 = tpu.memref_squeeze %get3A_774 : memref<1x32x512xf32, #tpu.memory_space<vmem>> -> memref<32x512xf32, #tpu.memory_space<vmem>>
            %get3A_776 = arith.index_cast %add3A_649 : i32 to index
            %get3A_777 = arith.index_cast %add3A_771 : i32 to index
            %get3A_778 = tpu.vector_load %get3A_775[%get3A_776, %get3A_777] {strides = array<i32>} : memref<32x512xf32, #tpu.memory_space<vmem>>, vector<1x16xf32>,
            %get3A_779 = vector.shape_cast %get3A_778 : vector<1x16xf32> to vector<1x16xf32>
            %get3A_780 = arith.constant 0 : i32
            %get3A_781 = arith.constant 0 : i32
            %get3A_782 = tpu.memref_slice %run_scoped3A_8[%rem3A_430, %get3A_780, %get3A_781] : memref<2x32x512xf32, #tpu.memory_space<vmem>> -> memref<1x32x512xf32, #tpu.memory_space<vmem>>
            %get3A_783 = tpu.memref_squeeze %get3A_782 : memref<1x32x512xf32, #tpu.memory_space<vmem>> -> memref<32x512xf32, #tpu.memory_space<vmem>>
            %get3A_784 = arith.index_cast %add3A_649 : i32 to index
            %get3A_785 = arith.index_cast %add3A_771 : i32 to index
            %get3A_786 = tpu.vector_load %get3A_783[%get3A_784, %get3A_785] {strides = array<i32>} : memref<32x512xf32, #tpu.memory_space<vmem>>, vector<1x16xf32>,
            %get3A_787 = vector.shape_cast %get3A_786 : vector<1x16xf32> to vector<1x16xf32>
            %add3A_788 = arith.addf %get3A_779, %get3A_787 : vector<1x16xf32>
            %swap3A_789 = arith.constant 0 : i32
            %swap3A_790 = arith.constant 0 : i32
            %swap3A_791 = tpu.memref_slice %run_scoped3A_10[%rem3A_432, %swap3A_789, %swap3A_790] : memref<2x32x512xf32, #tpu.memory_space<vmem>> -> memref<1x32x512xf32, #tpu.memory_space<vmem>>
            %swap3A_792 = tpu.memref_squeeze %swap3A_791 : memref<1x32x512xf32, #tpu.memory_space<vmem>> -> memref<32x512xf32, #tpu.memory_space<vmem>>
            %swap3A_793 = arith.index_cast %add3A_649 : i32 to index
            %swap3A_794 = arith.index_cast %add3A_771 : i32 to index
            %swap3A_795 = tpu.vector_load %swap3A_792[%swap3A_793, %swap3A_794] {strides = array<i32>} : memref<32x512xf32, #tpu.memory_space<vmem>>, vector<1x16xf32>,
            %swap3A_796 = vector.shape_cast %swap3A_795 : vector<1x16xf32> to vector<1x16xf32>
            %swap3A_797 = vector.shape_cast %add3A_788 : vector<1x16xf32> to vector<1x16xf32>
            tpu.vector_store %swap3A_792[%swap3A_793, %swap3A_794], %swap3A_797 {strides = array<i32>} : memref<32x512xf32, #tpu.memory_space<vmem>>, vector<1x16xf32>,
            %add3A_798 = arith.constant 80 : i32
            %add3A_799 = arith.addi %add3A_659, %add3A_798 : i32
            %get3A_800 = arith.constant 0 : i32
            %get3A_801 = arith.constant 0 : i32
            %get3A_802 = tpu.memref_slice %run_scoped3A[%rem3A_428, %get3A_800, %get3A_801] : memref<2x32x512xf32, #tpu.memory_space<vmem>> -> memref<1x32x512xf32, #tpu.memory_space<vmem>>
            %get3A_803 = tpu.memref_squeeze %get3A_802 : memref<1x32x512xf32, #tpu.memory_space<vmem>> -> memref<32x512xf32, #tpu.memory_space<vmem>>
            %get3A_804 = arith.index_cast %add3A_649 : i32 to index
            %get3A_805 = arith.index_cast %add3A_799 : i32 to index
            %get3A_806 = tpu.vector_load %get3A_803[%get3A_804, %get3A_805] {strides = array<i32>} : memref<32x512xf32, #tpu.memory_space<vmem>>, vector<1x16xf32>,
            %get3A_807 = vector.shape_cast %get3A_806 : vector<1x16xf32> to vector<1x16xf32>
            %get3A_808 = arith.constant 0 : i32
            %get3A_809 = arith.constant 0 : i32
            %get3A_810 = tpu.memref_slice %run_scoped3A_8[%rem3A_430, %get3A_808, %get3A_809] : memref<2x32x512xf32, #tpu.memory_space<vmem>> -> memref<1x32x512xf32, #tpu.memory_space<vmem>>
            %get3A_811 = tpu.memref_squeeze %get3A_810 : memref<1x32x512xf32, #tpu.memory_space<vmem>> -> memref<32x512xf32, #tpu.memory_space<vmem>>
            %get3A_812 = arith.index_cast %add3A_649 : i32 to index
            %get3A_813 = arith.index_cast %add3A_799 : i32 to index
            %get3A_814 = tpu.vector_load %get3A_811[%get3A_812, %get3A_813] {strides = array<i32>} : memref<32x512xf32, #tpu.memory_space<vmem>>, vector<1x16xf32>,
            %get3A_815 = vector.shape_cast %get3A_814 : vector<1x16xf32> to vector<1x16xf32>
            %add3A_816 = arith.addf %get3A_807, %get3A_815 : vector<1x16xf32>
            %swap3A_817 = arith.constant 0 : i32
            %swap3A_818 = arith.constant 0 : i32
            %swap3A_819 = tpu.memref_slice %run_scoped3A_10[%rem3A_432, %swap3A_817, %swap3A_818] : memref<2x32x512xf32, #tpu.memory_space<vmem>> -> memref<1x32x512xf32, #tpu.memory_space<vmem>>
            %swap3A_820 = tpu.memref_squeeze %swap3A_819 : memref<1x32x512xf32, #tpu.memory_space<vmem>> -> memref<32x512xf32, #tpu.memory_space<vmem>>
            %swap3A_821 = arith.index_cast %add3A_649 : i32 to index
            %swap3A_822 = arith.index_cast %add3A_799 : i32 to index
            %swap3A_823 = tpu.vector_load %swap3A_820[%swap3A_821, %swap3A_822] {strides = array<i32>} : memref<32x512xf32, #tpu.memory_space<vmem>>, vector<1x16xf32>,
            %swap3A_824 = vector.shape_cast %swap3A_823 : vector<1x16xf32> to vector<1x16xf32>
            %swap3A_825 = vector.shape_cast %add3A_816 : vector<1x16xf32> to vector<1x16xf32>
            tpu.vector_store %swap3A_820[%swap3A_821, %swap3A_822], %swap3A_825 {strides = array<i32>} : memref<32x512xf32, #tpu.memory_space<vmem>>, vector<1x16xf32>,
            %add3A_826 = arith.constant 96 : i32
            %add3A_827 = arith.addi %add3A_659, %add3A_826 : i32
            %get3A_828 = arith.constant 0 : i32
            %get3A_829 = arith.constant 0 : i32
            %get3A_830 = tpu.memref_slice %run_scoped3A[%rem3A_428, %get3A_828, %get3A_829] : memref<2x32x512xf32, #tpu.memory_space<vmem>> -> memref<1x32x512xf32, #tpu.memory_space<vmem>>
            %get3A_831 = tpu.memref_squeeze %get3A_830 : memref<1x32x512xf32, #tpu.memory_space<vmem>> -> memref<32x512xf32, #tpu.memory_space<vmem>>
            %get3A_832 = arith.index_cast %add3A_649 : i32 to index
            %get3A_833 = arith.index_cast %add3A_827 : i32 to index
            %get3A_834 = tpu.vector_load %get3A_831[%get3A_832, %get3A_833] {strides = array<i32>} : memref<32x512xf32, #tpu.memory_space<vmem>>, vector<1x16xf32>,
            %get3A_835 = vector.shape_cast %get3A_834 : vector<1x16xf32> to vector<1x16xf32>
            %get3A_836 = arith.constant 0 : i32
            %get3A_837 = arith.constant 0 : i32
            %get3A_838 = tpu.memref_slice %run_scoped3A_8[%rem3A_430, %get3A_836, %get3A_837] : memref<2x32x512xf32, #tpu.memory_space<vmem>> -> memref<1x32x512xf32, #tpu.memory_space<vmem>>
            %get3A_839 = tpu.memref_squeeze %get3A_838 : memref<1x32x512xf32, #tpu.memory_space<vmem>> -> memref<32x512xf32, #tpu.memory_space<vmem>>
            %get3A_840 = arith.index_cast %add3A_649 : i32 to index
            %get3A_841 = arith.index_cast %add3A_827 : i32 to index
            %get3A_842 = tpu.vector_load %get3A_839[%get3A_840, %get3A_841] {strides = array<i32>} : memref<32x512xf32, #tpu.memory_space<vmem>>, vector<1x16xf32>,
            %get3A_843 = vector.shape_cast %get3A_842 : vector<1x16xf32> to vector<1x16xf32>
            %add3A_844 = arith.addf %get3A_835, %get3A_843 : vector<1x16xf32>
            %swap3A_845 = arith.constant 0 : i32
            %swap3A_846 = arith.constant 0 : i32
            %swap3A_847 = tpu.memref_slice %run_scoped3A_10[%rem3A_432, %swap3A_845, %swap3A_846] : memref<2x32x512xf32, #tpu.memory_space<vmem>> -> memref<1x32x512xf32, #tpu.memory_space<vmem>>
            %swap3A_848 = tpu.memref_squeeze %swap3A_847 : memref<1x32x512xf32, #tpu.memory_space<vmem>> -> memref<32x512xf32, #tpu.memory_space<vmem>>
            %swap3A_849 = arith.index_cast %add3A_649 : i32 to index
            %swap3A_850 = arith.index_cast %add3A_827 : i32 to index
            %swap3A_851 = tpu.vector_load %swap3A_848[%swap3A_849, %swap3A_850] {strides = array<i32>} : memref<32x512xf32, #tpu.memory_space<vmem>>, vector<1x16xf32>,
            %swap3A_852 = vector.shape_cast %swap3A_851 : vector<1x16xf32> to vector<1x16xf32>
            %swap3A_853 = vector.shape_cast %add3A_844 : vector<1x16xf32> to vector<1x16xf32>
            tpu.vector_store %swap3A_848[%swap3A_849, %swap3A_850], %swap3A_853 {strides = array<i32>} : memref<32x512xf32, #tpu.memory_space<vmem>>, vector<1x16xf32>,
            %add3A_854 = arith.constant 112 : i32
            %add3A_855 = arith.addi %add3A_659, %add3A_854 : i32
            %get3A_856 = arith.constant 0 : i32
            %get3A_857 = arith.constant 0 : i32
            %get3A_858 = tpu.memref_slice %run_scoped3A[%rem3A_428, %get3A_856, %get3A_857] : memref<2x32x512xf32, #tpu.memory_space<vmem>> -> memref<1x32x512xf32, #tpu.memory_space<vmem>>
            %get3A_859 = tpu.memref_squeeze %get3A_858 : memref<1x32x512xf32, #tpu.memory_space<vmem>> -> memref<32x512xf32, #tpu.memory_space<vmem>>
            %get3A_860 = arith.index_cast %add3A_649 : i32 to index
            %get3A_861 = arith.index_cast %add3A_855 : i32 to index
            %get3A_862 = tpu.vector_load %get3A_859[%get3A_860, %get3A_861] {strides = array<i32>} : memref<32x512xf32, #tpu.memory_space<vmem>>, vector<1x16xf32>,
            %get3A_863 = vector.shape_cast %get3A_862 : vector<1x16xf32> to vector<1x16xf32>
            %get3A_864 = arith.constant 0 : i32
            %get3A_865 = arith.constant 0 : i32
            %get3A_866 = tpu.memref_slice %run_scoped3A_8[%rem3A_430, %get3A_864, %get3A_865] : memref<2x32x512xf32, #tpu.memory_space<vmem>> -> memref<1x32x512xf32, #tpu.memory_space<vmem>>
            %get3A_867 = tpu.memref_squeeze %get3A_866 : memref<1x32x512xf32, #tpu.memory_space<vmem>> -> memref<32x512xf32, #tpu.memory_space<vmem>>
            %get3A_868 = arith.index_cast %add3A_649 : i32 to index
            %get3A_869 = arith.index_cast %add3A_855 : i32 to index
            %get3A_870 = tpu.vector_load %get3A_867[%get3A_868, %get3A_869] {strides = array<i32>} : memref<32x512xf32, #tpu.memory_space<vmem>>, vector<1x16xf32>,
            %get3A_871 = vector.shape_cast %get3A_870 : vector<1x16xf32> to vector<1x16xf32>
            %add3A_872 = arith.addf %get3A_863, %get3A_871 : vector<1x16xf32>
            %swap3A_873 = arith.constant 0 : i32
            %swap3A_874 = arith.constant 0 : i32
            %swap3A_875 = tpu.memref_slice %run_scoped3A_10[%rem3A_432, %swap3A_873, %swap3A_874] : memref<2x32x512xf32, #tpu.memory_space<vmem>> -> memref<1x32x512xf32, #tpu.memory_space<vmem>>
            %swap3A_876 = tpu.memref_squeeze %swap3A_875 : memref<1x32x512xf32, #tpu.memory_space<vmem>> -> memref<32x512xf32, #tpu.memory_space<vmem>>
            %swap3A_877 = arith.index_cast %add3A_649 : i32 to index
            %swap3A_878 = arith.index_cast %add3A_855 : i32 to index
            %swap3A_879 = tpu.vector_load %swap3A_876[%swap3A_877, %swap3A_878] {strides = array<i32>} : memref<32x512xf32, #tpu.memory_space<vmem>>, vector<1x16xf32>,
            %swap3A_880 = vector.shape_cast %swap3A_879 : vector<1x16xf32> to vector<1x16xf32>
            %swap3A_881 = vector.shape_cast %add3A_872 : vector<1x16xf32> to vector<1x16xf32>
            tpu.vector_store %swap3A_876[%swap3A_877, %swap3A_878], %swap3A_881 {strides = array<i32>} : memref<32x512xf32, #tpu.memory_space<vmem>>, vector<1x16xf32>,
            %add3A_882 = arith.constant 128 : i32
            %add3A_883 = arith.addi %add3A_659, %add3A_882 : i32
            %get3A_884 = arith.constant 0 : i32
            %get3A_885 = arith.constant 0 : i32
            %get3A_886 = tpu.memref_slice %run_scoped3A[%rem3A_428, %get3A_884, %get3A_885] : memref<2x32x512xf32, #tpu.memory_space<vmem>> -> memref<1x32x512xf32, #tpu.memory_space<vmem>>
            %get3A_887 = tpu.memref_squeeze %get3A_886 : memref<1x32x512xf32, #tpu.memory_space<vmem>> -> memref<32x512xf32, #tpu.memory_space<vmem>>
            %get3A_888 = arith.index_cast %add3A_649 : i32 to index
            %get3A_889 = arith.index_cast %add3A_883 : i32 to index
            %get3A_890 = tpu.vector_load %get3A_887[%get3A_888, %get3A_889] {strides = array<i32>} : memref<32x512xf32, #tpu.memory_space<vmem>>, vector<1x16xf32>,
            %get3A_891 = vector.shape_cast %get3A_890 : vector<1x16xf32> to vector<1x16xf32>
            %get3A_892 = arith.constant 0 : i32
            %get3A_893 = arith.constant 0 : i32
            %get3A_894 = tpu.memref_slice %run_scoped3A_8[%rem3A_430, %get3A_892, %get3A_893] : memref<2x32x512xf32, #tpu.memory_space<vmem>> -> memref<1x32x512xf32, #tpu.memory_space<vmem>>
            %get3A_895 = tpu.memref_squeeze %get3A_894 : memref<1x32x512xf32, #tpu.memory_space<vmem>> -> memref<32x512xf32, #tpu.memory_space<vmem>>
            %get3A_896 = arith.index_cast %add3A_649 : i32 to index
            %get3A_897 = arith.index_cast %add3A_883 : i32 to index
            %get3A_898 = tpu.vector_load %get3A_895[%get3A_896, %get3A_897] {strides = array<i32>} : memref<32x512xf32, #tpu.memory_space<vmem>>, vector<1x16xf32>,
            %get3A_899 = vector.shape_cast %get3A_898 : vector<1x16xf32> to vector<1x16xf32>
            %add3A_900 = arith.addf %get3A_891, %get3A_899 : vector<1x16xf32>
            %swap3A_901 = arith.constant 0 : i32
            %swap3A_902 = arith.constant 0 : i32
            %swap3A_903 = tpu.memref_slice %run_scoped3A_10[%rem3A_432, %swap3A_901, %swap3A_902] : memref<2x32x512xf32, #tpu.memory_space<vmem>> -> memref<1x32x512xf32, #tpu.memory_space<vmem>>
            %swap3A_904 = tpu.memref_squeeze %swap3A_903 : memref<1x32x512xf32, #tpu.memory_space<vmem>> -> memref<32x512xf32, #tpu.memory_space<vmem>>
            %swap3A_905 = arith.index_cast %add3A_649 : i32 to index
            %swap3A_906 = arith.index_cast %add3A_883 : i32 to index
            %swap3A_907 = tpu.vector_load %swap3A_904[%swap3A_905, %swap3A_906] {strides = array<i32>} : memref<32x512xf32, #tpu.memory_space<vmem>>, vector<1x16xf32>,
            %swap3A_908 = vector.shape_cast %swap3A_907 : vector<1x16xf32> to vector<1x16xf32>
            %swap3A_909 = vector.shape_cast %add3A_900 : vector<1x16xf32> to vector<1x16xf32>
            tpu.vector_store %swap3A_904[%swap3A_905, %swap3A_906], %swap3A_909 {strides = array<i32>} : memref<32x512xf32, #tpu.memory_space<vmem>>, vector<1x16xf32>,
            %add3A_910 = arith.constant 144 : i32
            %add3A_911 = arith.addi %add3A_659, %add3A_910 : i32
            %get3A_912 = arith.constant 0 : i32
            %get3A_913 = arith.constant 0 : i32
            %get3A_914 = tpu.memref_slice %run_scoped3A[%rem3A_428, %get3A_912, %get3A_913] : memref<2x32x512xf32, #tpu.memory_space<vmem>> -> memref<1x32x512xf32, #tpu.memory_space<vmem>>
            %get3A_915 = tpu.memref_squeeze %get3A_914 : memref<1x32x512xf32, #tpu.memory_space<vmem>> -> memref<32x512xf32, #tpu.memory_space<vmem>>
            %get3A_916 = arith.index_cast %add3A_649 : i32 to index
            %get3A_917 = arith.index_cast %add3A_911 : i32 to index
            %get3A_918 = tpu.vector_load %get3A_915[%get3A_916, %get3A_917] {strides = array<i32>} : memref<32x512xf32, #tpu.memory_space<vmem>>, vector<1x16xf32>,
            %get3A_919 = vector.shape_cast %get3A_918 : vector<1x16xf32> to vector<1x16xf32>
            %get3A_920 = arith.constant 0 : i32
            %get3A_921 = arith.constant 0 : i32
            %get3A_922 = tpu.memref_slice %run_scoped3A_8[%rem3A_430, %get3A_920, %get3A_921] : memref<2x32x512xf32, #tpu.memory_space<vmem>> -> memref<1x32x512xf32, #tpu.memory_space<vmem>>
            %get3A_923 = tpu.memref_squeeze %get3A_922 : memref<1x32x512xf32, #tpu.memory_space<vmem>> -> memref<32x512xf32, #tpu.memory_space<vmem>>
            %get3A_924 = arith.index_cast %add3A_649 : i32 to index
            %get3A_925 = arith.index_cast %add3A_911 : i32 to index
            %get3A_926 = tpu.vector_load %get3A_923[%get3A_924, %get3A_925] {strides = array<i32>} : memref<32x512xf32, #tpu.memory_space<vmem>>, vector<1x16xf32>,
            %get3A_927 = vector.shape_cast %get3A_926 : vector<1x16xf32> to vector<1x16xf32>
            %add3A_928 = arith.addf %get3A_919, %get3A_927 : vector<1x16xf32>
            %swap3A_929 = arith.constant 0 : i32
            %swap3A_930 = arith.constant 0 : i32
            %swap3A_931 = tpu.memref_slice %run_scoped3A_10[%rem3A_432, %swap3A_929, %swap3A_930] : memref<2x32x512xf32, #tpu.memory_space<vmem>> -> memref<1x32x512xf32, #tpu.memory_space<vmem>>
            %swap3A_932 = tpu.memref_squeeze %swap3A_931 : memref<1x32x512xf32, #tpu.memory_space<vmem>> -> memref<32x512xf32, #tpu.memory_space<vmem>>
            %swap3A_933 = arith.index_cast %add3A_649 : i32 to index
            %swap3A_934 = arith.index_cast %add3A_911 : i32 to index
            %swap3A_935 = tpu.vector_load %swap3A_932[%swap3A_933, %swap3A_934] {strides = array<i32>} : memref<32x512xf32, #tpu.memory_space<vmem>>, vector<1x16xf32>,
            %swap3A_936 = vector.shape_cast %swap3A_935 : vector<1x16xf32> to vector<1x16xf32>
            %swap3A_937 = vector.shape_cast %add3A_928 : vector<1x16xf32> to vector<1x16xf32>
            tpu.vector_store %swap3A_932[%swap3A_933, %swap3A_934], %swap3A_937 {strides = array<i32>} : memref<32x512xf32, #tpu.memory_space<vmem>>, vector<1x16xf32>,
            %add3A_938 = arith.constant 160 : i32
            %add3A_939 = arith.addi %add3A_659, %add3A_938 : i32
            %get3A_940 = arith.constant 0 : i32
            %get3A_941 = arith.constant 0 : i32
            %get3A_942 = tpu.memref_slice %run_scoped3A[%rem3A_428, %get3A_940, %get3A_941] : memref<2x32x512xf32, #tpu.memory_space<vmem>> -> memref<1x32x512xf32, #tpu.memory_space<vmem>>
            %get3A_943 = tpu.memref_squeeze %get3A_942 : memref<1x32x512xf32, #tpu.memory_space<vmem>> -> memref<32x512xf32, #tpu.memory_space<vmem>>
            %get3A_944 = arith.index_cast %add3A_649 : i32 to index
            %get3A_945 = arith.index_cast %add3A_939 : i32 to index
            %get3A_946 = tpu.vector_load %get3A_943[%get3A_944, %get3A_945] {strides = array<i32>} : memref<32x512xf32, #tpu.memory_space<vmem>>, vector<1x16xf32>,
            %get3A_947 = vector.shape_cast %get3A_946 : vector<1x16xf32> to vector<1x16xf32>
            %get3A_948 = arith.constant 0 : i32
            %get3A_949 = arith.constant 0 : i32
            %get3A_950 = tpu.memref_slice %run_scoped3A_8[%rem3A_430, %get3A_948, %get3A_949] : memref<2x32x512xf32, #tpu.memory_space<vmem>> -> memref<1x32x512xf32, #tpu.memory_space<vmem>>
            %get3A_951 = tpu.memref_squeeze %get3A_950 : memref<1x32x512xf32, #tpu.memory_space<vmem>> -> memref<32x512xf32, #tpu.memory_space<vmem>>
            %get3A_952 = arith.index_cast %add3A_649 : i32 to index
            %get3A_953 = arith.index_cast %add3A_939 : i32 to index
            %get3A_954 = tpu.vector_load %get3A_951[%get3A_952, %get3A_953] {strides = array<i32>} : memref<32x512xf32, #tpu.memory_space<vmem>>, vector<1x16xf32>,
            %get3A_955 = vector.shape_cast %get3A_954 : vector<1x16xf32> to vector<1x16xf32>
            %add3A_956 = arith.addf %get3A_947, %get3A_955 : vector<1x16xf32>
            %swap3A_957 = arith.constant 0 : i32
            %swap3A_958 = arith.constant 0 : i32
            %swap3A_959 = tpu.memref_slice %run_scoped3A_10[%rem3A_432, %swap3A_957, %swap3A_958] : memref<2x32x512xf32, #tpu.memory_space<vmem>> -> memref<1x32x512xf32, #tpu.memory_space<vmem>>
            %swap3A_960 = tpu.memref_squeeze %swap3A_959 : memref<1x32x512xf32, #tpu.memory_space<vmem>> -> memref<32x512xf32, #tpu.memory_space<vmem>>
            %swap3A_961 = arith.index_cast %add3A_649 : i32 to index
            %swap3A_962 = arith.index_cast %add3A_939 : i32 to index
            %swap3A_963 = tpu.vector_load %swap3A_960[%swap3A_961, %swap3A_962] {strides = array<i32>} : memref<32x512xf32, #tpu.memory_space<vmem>>, vector<1x16xf32>,
            %swap3A_964 = vector.shape_cast %swap3A_963 : vector<1x16xf32> to vector<1x16xf32>
            %swap3A_965 = vector.shape_cast %add3A_956 : vector<1x16xf32> to vector<1x16xf32>
            tpu.vector_store %swap3A_960[%swap3A_961, %swap3A_962], %swap3A_965 {strides = array<i32>} : memref<32x512xf32, #tpu.memory_space<vmem>>, vector<1x16xf32>,
            %add3A_966 = arith.constant 176 : i32
            %add3A_967 = arith.addi %add3A_659, %add3A_966 : i32
            %get3A_968 = arith.constant 0 : i32
            %get3A_969 = arith.constant 0 : i32
            %get3A_970 = tpu.memref_slice %run_scoped3A[%rem3A_428, %get3A_968, %get3A_969] : memref<2x32x512xf32, #tpu.memory_space<vmem>> -> memref<1x32x512xf32, #tpu.memory_space<vmem>>
            %get3A_971 = tpu.memref_squeeze %get3A_970 : memref<1x32x512xf32, #tpu.memory_space<vmem>> -> memref<32x512xf32, #tpu.memory_space<vmem>>
            %get3A_972 = arith.index_cast %add3A_649 : i32 to index
            %get3A_973 = arith.index_cast %add3A_967 : i32 to index
            %get3A_974 = tpu.vector_load %get3A_971[%get3A_972, %get3A_973] {strides = array<i32>} : memref<32x512xf32, #tpu.memory_space<vmem>>, vector<1x16xf32>,
            %get3A_975 = vector.shape_cast %get3A_974 : vector<1x16xf32> to vector<1x16xf32>
            %get3A_976 = arith.constant 0 : i32
            %get3A_977 = arith.constant 0 : i32
            %get3A_978 = tpu.memref_slice %run_scoped3A_8[%rem3A_430, %get3A_976, %get3A_977] : memref<2x32x512xf32, #tpu.memory_space<vmem>> -> memref<1x32x512xf32, #tpu.memory_space<vmem>>
            %get3A_979 = tpu.memref_squeeze %get3A_978 : memref<1x32x512xf32, #tpu.memory_space<vmem>> -> memref<32x512xf32, #tpu.memory_space<vmem>>
            %get3A_980 = arith.index_cast %add3A_649 : i32 to index
            %get3A_981 = arith.index_cast %add3A_967 : i32 to index
            %get3A_982 = tpu.vector_load %get3A_979[%get3A_980, %get3A_981] {strides = array<i32>} : memref<32x512xf32, #tpu.memory_space<vmem>>, vector<1x16xf32>,
            %get3A_983 = vector.shape_cast %get3A_982 : vector<1x16xf32> to vector<1x16xf32>
            %add3A_984 = arith.addf %get3A_975, %get3A_983 : vector<1x16xf32>
            %swap3A_985 = arith.constant 0 : i32
            %swap3A_986 = arith.constant 0 : i32
            %swap3A_987 = tpu.memref_slice %run_scoped3A_10[%rem3A_432, %swap3A_985, %swap3A_986] : memref<2x32x512xf32, #tpu.memory_space<vmem>> -> memref<1x32x512xf32, #tpu.memory_space<vmem>>
            %swap3A_988 = tpu.memref_squeeze %swap3A_987 : memref<1x32x512xf32, #tpu.memory_space<vmem>> -> memref<32x512xf32, #tpu.memory_space<vmem>>
            %swap3A_989 = arith.index_cast %add3A_649 : i32 to index
            %swap3A_990 = arith.index_cast %add3A_967 : i32 to index
            %swap3A_991 = tpu.vector_load %swap3A_988[%swap3A_989, %swap3A_990] {strides = array<i32>} : memref<32x512xf32, #tpu.memory_space<vmem>>, vector<1x16xf32>,
            %swap3A_992 = vector.shape_cast %swap3A_991 : vector<1x16xf32> to vector<1x16xf32>
            %swap3A_993 = vector.shape_cast %add3A_984 : vector<1x16xf32> to vector<1x16xf32>
            tpu.vector_store %swap3A_988[%swap3A_989, %swap3A_990], %swap3A_993 {strides = array<i32>} : memref<32x512xf32, #tpu.memory_space<vmem>>, vector<1x16xf32>,
            %add3A_994 = arith.constant 192 : i32
            %add3A_995 = arith.addi %add3A_659, %add3A_994 : i32
            %get3A_996 = arith.constant 0 : i32
            %get3A_997 = arith.constant 0 : i32
            %get3A_998 = tpu.memref_slice %run_scoped3A[%rem3A_428, %get3A_996, %get3A_997] : memref<2x32x512xf32, #tpu.memory_space<vmem>> -> memref<1x32x512xf32, #tpu.memory_space<vmem>>
            %get3A_999 = tpu.memref_squeeze %get3A_998 : memref<1x32x512xf32, #tpu.memory_space<vmem>> -> memref<32x512xf32, #tpu.memory_space<vmem>>
            %get3A_1000 = arith.index_cast %add3A_649 : i32 to index
            %get3A_1001 = arith.index_cast %add3A_995 : i32 to index
            %get3A_1002 = tpu.vector_load %get3A_999[%get3A_1000, %get3A_1001] {strides = array<i32>} : memref<32x512xf32, #tpu.memory_space<vmem>>, vector<1x16xf32>,
            %get3A_1003 = vector.shape_cast %get3A_1002 : vector<1x16xf32> to vector<1x16xf32>
            %get3A_1004 = arith.constant 0 : i32
            %get3A_1005 = arith.constant 0 : i32
            %get3A_1006 = tpu.memref_slice %run_scoped3A_8[%rem3A_430, %get3A_1004, %get3A_1005] : memref<2x32x512xf32, #tpu.memory_space<vmem>> -> memref<1x32x512xf32, #tpu.memory_space<vmem>>
            %get3A_1007 = tpu.memref_squeeze %get3A_1006 : memref<1x32x512xf32, #tpu.memory_space<vmem>> -> memref<32x512xf32, #tpu.memory_space<vmem>>
            %get3A_1008 = arith.index_cast %add3A_649 : i32 to index
            %get3A_1009 = arith.index_cast %add3A_995 : i32 to index
            %get3A_1010 = tpu.vector_load %get3A_1007[%get3A_1008, %get3A_1009] {strides = array<i32>} : memref<32x512xf32, #tpu.memory_space<vmem>>, vector<1x16xf32>,
            %get3A_1011 = vector.shape_cast %get3A_1010 : vector<1x16xf32> to vector<1x16xf32>
            %add3A_1012 = arith.addf %get3A_1003, %get3A_1011 : vector<1x16xf32>
            %swap3A_1013 = arith.constant 0 : i32
            %swap3A_1014 = arith.constant 0 : i32
            %swap3A_1015 = tpu.memref_slice %run_scoped3A_10[%rem3A_432, %swap3A_1013, %swap3A_1014] : memref<2x32x512xf32, #tpu.memory_space<vmem>> -> memref<1x32x512xf32, #tpu.memory_space<vmem>>
            %swap3A_1016 = tpu.memref_squeeze %swap3A_1015 : memref<1x32x512xf32, #tpu.memory_space<vmem>> -> memref<32x512xf32, #tpu.memory_space<vmem>>
            %swap3A_1017 = arith.index_cast %add3A_649 : i32 to index
            %swap3A_1018 = arith.index_cast %add3A_995 : i32 to index
            %swap3A_1019 = tpu.vector_load %swap3A_1016[%swap3A_1017, %swap3A_1018] {strides = array<i32>} : memref<32x512xf32, #tpu.memory_space<vmem>>, vector<1x16xf32>,
            %swap3A_1020 = vector.shape_cast %swap3A_1019 : vector<1x16xf32> to vector<1x16xf32>
            %swap3A_1021 = vector.shape_cast %add3A_1012 : vector<1x16xf32> to vector<1x16xf32>
            tpu.vector_store %swap3A_1016[%swap3A_1017, %swap3A_1018], %swap3A_1021 {strides = array<i32>} : memref<32x512xf32, #tpu.memory_space<vmem>>, vector<1x16xf32>,
            %add3A_1022 = arith.constant 208 : i32
            %add3A_1023 = arith.addi %add3A_659, %add3A_1022 : i32
            %get3A_1024 = arith.constant 0 : i32
            %get3A_1025 = arith.constant 0 : i32
            %get3A_1026 = tpu.memref_slice %run_scoped3A[%rem3A_428, %get3A_1024, %get3A_1025] : memref<2x32x512xf32, #tpu.memory_space<vmem>> -> memref<1x32x512xf32, #tpu.memory_space<vmem>>
            %get3A_1027 = tpu.memref_squeeze %get3A_1026 : memref<1x32x512xf32, #tpu.memory_space<vmem>> -> memref<32x512xf32, #tpu.memory_space<vmem>>
            %get3A_1028 = arith.index_cast %add3A_649 : i32 to index
            %get3A_1029 = arith.index_cast %add3A_1023 : i32 to index
            %get3A_1030 = tpu.vector_load %get3A_1027[%get3A_1028, %get3A_1029] {strides = array<i32>} : memref<32x512xf32, #tpu.memory_space<vmem>>, vector<1x16xf32>,
            %get3A_1031 = vector.shape_cast %get3A_1030 : vector<1x16xf32> to vector<1x16xf32>
            %get3A_1032 = arith.constant 0 : i32
            %get3A_1033 = arith.constant 0 : i32
            %get3A_1034 = tpu.memref_slice %run_scoped3A_8[%rem3A_430, %get3A_1032, %get3A_1033] : memref<2x32x512xf32, #tpu.memory_space<vmem>> -> memref<1x32x512xf32, #tpu.memory_space<vmem>>
            %get3A_1035 = tpu.memref_squeeze %get3A_1034 : memref<1x32x512xf32, #tpu.memory_space<vmem>> -> memref<32x512xf32, #tpu.memory_space<vmem>>
            %get3A_1036 = arith.index_cast %add3A_649 : i32 to index
            %get3A_1037 = arith.index_cast %add3A_1023 : i32 to index
            %get3A_1038 = tpu.vector_load %get3A_1035[%get3A_1036, %get3A_1037] {strides = array<i32>} : memref<32x512xf32, #tpu.memory_space<vmem>>, vector<1x16xf32>,
            %get3A_1039 = vector.shape_cast %get3A_1038 : vector<1x16xf32> to vector<1x16xf32>
            %add3A_1040 = arith.addf %get3A_1031, %get3A_1039 : vector<1x16xf32>
            %swap3A_1041 = arith.constant 0 : i32
            %swap3A_1042 = arith.constant 0 : i32
            %swap3A_1043 = tpu.memref_slice %run_scoped3A_10[%rem3A_432, %swap3A_1041, %swap3A_1042] : memref<2x32x512xf32, #tpu.memory_space<vmem>> -> memref<1x32x512xf32, #tpu.memory_space<vmem>>
            %swap3A_1044 = tpu.memref_squeeze %swap3A_1043 : memref<1x32x512xf32, #tpu.memory_space<vmem>> -> memref<32x512xf32, #tpu.memory_space<vmem>>
            %swap3A_1045 = arith.index_cast %add3A_649 : i32 to index
            %swap3A_1046 = arith.index_cast %add3A_1023 : i32 to index
            %swap3A_1047 = tpu.vector_load %swap3A_1044[%swap3A_1045, %swap3A_1046] {strides = array<i32>} : memref<32x512xf32, #tpu.memory_space<vmem>>, vector<1x16xf32>,
            %swap3A_1048 = vector.shape_cast %swap3A_1047 : vector<1x16xf32> to vector<1x16xf32>
            %swap3A_1049 = vector.shape_cast %add3A_1040 : vector<1x16xf32> to vector<1x16xf32>
            tpu.vector_store %swap3A_1044[%swap3A_1045, %swap3A_1046], %swap3A_1049 {strides = array<i32>} : memref<32x512xf32, #tpu.memory_space<vmem>>, vector<1x16xf32>,
            %add3A_1050 = arith.constant 224 : i32
            %add3A_1051 = arith.addi %add3A_659, %add3A_1050 : i32
            %get3A_1052 = arith.constant 0 : i32
            %get3A_1053 = arith.constant 0 : i32
            %get3A_1054 = tpu.memref_slice %run_scoped3A[%rem3A_428, %get3A_1052, %get3A_1053] : memref<2x32x512xf32, #tpu.memory_space<vmem>> -> memref<1x32x512xf32, #tpu.memory_space<vmem>>
            %get3A_1055 = tpu.memref_squeeze %get3A_1054 : memref<1x32x512xf32, #tpu.memory_space<vmem>> -> memref<32x512xf32, #tpu.memory_space<vmem>>
            %get3A_1056 = arith.index_cast %add3A_649 : i32 to index
            %get3A_1057 = arith.index_cast %add3A_1051 : i32 to index
            %get3A_1058 = tpu.vector_load %get3A_1055[%get3A_1056, %get3A_1057] {strides = array<i32>} : memref<32x512xf32, #tpu.memory_space<vmem>>, vector<1x16xf32>,
            %get3A_1059 = vector.shape_cast %get3A_1058 : vector<1x16xf32> to vector<1x16xf32>
            %get3A_1060 = arith.constant 0 : i32
            %get3A_1061 = arith.constant 0 : i32
            %get3A_1062 = tpu.memref_slice %run_scoped3A_8[%rem3A_430, %get3A_1060, %get3A_1061] : memref<2x32x512xf32, #tpu.memory_space<vmem>> -> memref<1x32x512xf32, #tpu.memory_space<vmem>>
            %get3A_1063 = tpu.memref_squeeze %get3A_1062 : memref<1x32x512xf32, #tpu.memory_space<vmem>> -> memref<32x512xf32, #tpu.memory_space<vmem>>
            %get3A_1064 = arith.index_cast %add3A_649 : i32 to index
            %get3A_1065 = arith.index_cast %add3A_1051 : i32 to index
            %get3A_1066 = tpu.vector_load %get3A_1063[%get3A_1064, %get3A_1065] {strides = array<i32>} : memref<32x512xf32, #tpu.memory_space<vmem>>, vector<1x16xf32>,
            %get3A_1067 = vector.shape_cast %get3A_1066 : vector<1x16xf32> to vector<1x16xf32>
            %add3A_1068 = arith.addf %get3A_1059, %get3A_1067 : vector<1x16xf32>
            %swap3A_1069 = arith.constant 0 : i32
            %swap3A_1070 = arith.constant 0 : i32
            %swap3A_1071 = tpu.memref_slice %run_scoped3A_10[%rem3A_432, %swap3A_1069, %swap3A_1070] : memref<2x32x512xf32, #tpu.memory_space<vmem>> -> memref<1x32x512xf32, #tpu.memory_space<vmem>>
            %swap3A_1072 = tpu.memref_squeeze %swap3A_1071 : memref<1x32x512xf32, #tpu.memory_space<vmem>> -> memref<32x512xf32, #tpu.memory_space<vmem>>
            %swap3A_1073 = arith.index_cast %add3A_649 : i32 to index
            %swap3A_1074 = arith.index_cast %add3A_1051 : i32 to index
            %swap3A_1075 = tpu.vector_load %swap3A_1072[%swap3A_1073, %swap3A_1074] {strides = array<i32>} : memref<32x512xf32, #tpu.memory_space<vmem>>, vector<1x16xf32>,
            %swap3A_1076 = vector.shape_cast %swap3A_1075 : vector<1x16xf32> to vector<1x16xf32>
            %swap3A_1077 = vector.shape_cast %add3A_1068 : vector<1x16xf32> to vector<1x16xf32>
            tpu.vector_store %swap3A_1072[%swap3A_1073, %swap3A_1074], %swap3A_1077 {strides = array<i32>} : memref<32x512xf32, #tpu.memory_space<vmem>>, vector<1x16xf32>,
            %add3A_1078 = arith.constant 240 : i32
            %add3A_1079 = arith.addi %add3A_659, %add3A_1078 : i32
            %get3A_1080 = arith.constant 0 : i32
            %get3A_1081 = arith.constant 0 : i32
            %get3A_1082 = tpu.memref_slice %run_scoped3A[%rem3A_428, %get3A_1080, %get3A_1081] : memref<2x32x512xf32, #tpu.memory_space<vmem>> -> memref<1x32x512xf32, #tpu.memory_space<vmem>>
            %get3A_1083 = tpu.memref_squeeze %get3A_1082 : memref<1x32x512xf32, #tpu.memory_space<vmem>> -> memref<32x512xf32, #tpu.memory_space<vmem>>
            %get3A_1084 = arith.index_cast %add3A_649 : i32 to index
            %get3A_1085 = arith.index_cast %add3A_1079 : i32 to index
            %get3A_1086 = tpu.vector_load %get3A_1083[%get3A_1084, %get3A_1085] {strides = array<i32>} : memref<32x512xf32, #tpu.memory_space<vmem>>, vector<1x16xf32>,
            %get3A_1087 = vector.shape_cast %get3A_1086 : vector<1x16xf32> to vector<1x16xf32>
            %get3A_1088 = arith.constant 0 : i32
            %get3A_1089 = arith.constant 0 : i32
            %get3A_1090 = tpu.memref_slice %run_scoped3A_8[%rem3A_430, %get3A_1088, %get3A_1089] : memref<2x32x512xf32, #tpu.memory_space<vmem>> -> memref<1x32x512xf32, #tpu.memory_space<vmem>>
            %get3A_1091 = tpu.memref_squeeze %get3A_1090 : memref<1x32x512xf32, #tpu.memory_space<vmem>> -> memref<32x512xf32, #tpu.memory_space<vmem>>
            %get3A_1092 = arith.index_cast %add3A_649 : i32 to index
            %get3A_1093 = arith.index_cast %add3A_1079 : i32 to index
            %get3A_1094 = tpu.vector_load %get3A_1091[%get3A_1092, %get3A_1093] {strides = array<i32>} : memref<32x512xf32, #tpu.memory_space<vmem>>, vector<1x16xf32>,
            %get3A_1095 = vector.shape_cast %get3A_1094 : vector<1x16xf32> to vector<1x16xf32>
            %add3A_1096 = arith.addf %get3A_1087, %get3A_1095 : vector<1x16xf32>
            %swap3A_1097 = arith.constant 0 : i32
            %swap3A_1098 = arith.constant 0 : i32
            %swap3A_1099 = tpu.memref_slice %run_scoped3A_10[%rem3A_432, %swap3A_1097, %swap3A_1098] : memref<2x32x512xf32, #tpu.memory_space<vmem>> -> memref<1x32x512xf32, #tpu.memory_space<vmem>>
            %swap3A_1100 = tpu.memref_squeeze %swap3A_1099 : memref<1x32x512xf32, #tpu.memory_space<vmem>> -> memref<32x512xf32, #tpu.memory_space<vmem>>
            %swap3A_1101 = arith.index_cast %add3A_649 : i32 to index
            %swap3A_1102 = arith.index_cast %add3A_1079 : i32 to index
            %swap3A_1103 = tpu.vector_load %swap3A_1100[%swap3A_1101, %swap3A_1102] {strides = array<i32>} : memref<32x512xf32, #tpu.memory_space<vmem>>, vector<1x16xf32>,
            %swap3A_1104 = vector.shape_cast %swap3A_1103 : vector<1x16xf32> to vector<1x16xf32>
            %swap3A_1105 = vector.shape_cast %add3A_1096 : vector<1x16xf32> to vector<1x16xf32>
            tpu.vector_store %swap3A_1100[%swap3A_1101, %swap3A_1102], %swap3A_1105 {strides = array<i32>} : memref<32x512xf32, #tpu.memory_space<vmem>>, vector<1x16xf32>,
          }
          %scan3A_654 = arith.constant 2 : i32
        }
        %scan3A_437 = arith.constant 32 : i32
        "tpu.trace_stop"() : () -> ()
        %ne3A_438 = arith.cmpi ne, %add3A_238, %add3A_274 : i32
        %ne3A_439 = arith.cmpi ne, %add3A_240, %add3A_276 : i32
        %or3A_440 = arith.constant false
        %or3A_441 = arith.ori %or3A_440, %ne3A_438 : i1
        %or3A_442 = arith.ori %or3A_441, %ne3A_439 : i1
        %or3A_443 = arith.ori %or3A_442, %eq3A_237 : i1
        %convert_element_type3A_444 = arith.extui %or3A_443 : i1 to i32
        %cond3A_445 = arith.constant 0 : i32
        %cond3A_446 = arith.cmpi ne, %convert_element_type3A_444, %cond3A_445 : i32
        scf.if %cond3A_446 {
        } else {
        }
        %and3A_447 = arith.constant false
        %and3A_448 = arith.andi %or3A_443, %and3A_447 : i1
        %jit3A_449 = arith.constant 256 : i32
        %eq3A_450 = arith.constant 0 : i32
        %eq3A_451 = arith.cmpi eq, %jit3A_449, %eq3A_450 : i32
        %jit3A_452 = arith.constant 1 : i32
        %select_n3A_453 = arith.select %eq3A_451, %jit3A_452, %jit3A_449 : i32
        %rem3A_454 = arith.remsi %add3A_238, %select_n3A_453 : i32
        %ne3A_455 = arith.constant 0 : i32
        %ne3A_456 = arith.cmpi ne, %rem3A_454, %ne3A_455 : i32
        %lt3A_457 = arith.constant 0 : i32
        %lt3A_458 = arith.cmpi slt, %rem3A_454, %lt3A_457 : i32
        %lt3A_459 = arith.constant 0 : i32
        %lt3A_460 = arith.cmpi slt, %select_n3A_453, %lt3A_459 : i32
        %ne3A_461 = arith.xori %lt3A_458, %lt3A_460 : i1
        %and3A_462 = arith.andi %ne3A_461, %ne3A_456 : i1
        %add3A_463 = arith.addi %rem3A_454, %select_n3A_453 : i32
        %select_n3A_464 = arith.select %and3A_462, %add3A_463, %rem3A_454 : i32
        %jit3A_465 = arith.constant 256 : i32
        %eq3A_466 = arith.constant 0 : i32
        %eq3A_467 = arith.cmpi eq, %jit3A_465, %eq3A_466 : i32
        %jit3A_468 = arith.constant 1 : i32
        %select_n3A_469 = arith.select %eq3A_467, %jit3A_468, %jit3A_465 : i32
        %rem3A_470 = arith.remsi %add3A_274, %select_n3A_469 : i32
        %ne3A_471 = arith.constant 0 : i32
        %ne3A_472 = arith.cmpi ne, %rem3A_470, %ne3A_471 : i32
        %lt3A_473 = arith.constant 0 : i32
        %lt3A_474 = arith.cmpi slt, %rem3A_470, %lt3A_473 : i32
        %lt3A_475 = arith.constant 0 : i32
        %lt3A_476 = arith.cmpi slt, %select_n3A_469, %lt3A_475 : i32
        %ne3A_477 = arith.xori %lt3A_474, %lt3A_476 : i1
        %and3A_478 = arith.andi %ne3A_477, %ne3A_472 : i1
        %add3A_479 = arith.addi %rem3A_470, %select_n3A_469 : i32
        %select_n3A_480 = arith.select %and3A_478, %add3A_479, %rem3A_470 : i32
        %ne3A_481 = arith.cmpi ne, %select_n3A_464, %select_n3A_480 : i32
        %ne3A_482 = arith.cmpi ne, %add3A_240, %add3A_276 : i32
        %or3A_483 = arith.constant false
        %or3A_484 = arith.ori %or3A_483, %ne3A_481 : i1
        %or3A_485 = arith.ori %or3A_484, %ne3A_482 : i1
        %or3A_486 = arith.ori %or3A_485, %eq3A_237 : i1
        %convert_element_type3A_487 = arith.extui %or3A_486 : i1 to i32
        %cond3A_488 = arith.constant 0 : i32
        %cond3A_489 = arith.cmpi ne, %convert_element_type3A_487, %cond3A_488 : i32
        scf.if %cond3A_489 {
        } else {
        }
        %and3A_490 = arith.constant false
        %and3A_491 = arith.andi %or3A_486, %and3A_490 : i1
        %ne3A_492 = arith.cmpi ne, %add3A_238, %add3A_274 : i32
        %ne3A_493 = arith.cmpi ne, %add3A_240, %add3A_276 : i32
        %or3A_494 = arith.constant false
        %or3A_495 = arith.ori %or3A_494, %ne3A_492 : i1
        %or3A_496 = arith.ori %or3A_495, %ne3A_493 : i1
        %or3A_497 = arith.ori %or3A_496, %eq3A_237 : i1
        %convert_element_type3A_498 = arith.extui %or3A_497 : i1 to i32
        %cond3A_499 = arith.constant 0 : i32
        %cond3A_500 = arith.cmpi ne, %convert_element_type3A_498, %cond3A_499 : i32
        scf.if %cond3A_500 {
          "tpu.trace_start"() <{level = 10 : i32, message = "ep_copy_out"}> : () -> ()
          %rem3A_645 = arith.constant 2 : i32
          %rem3A_646 = arith.remui %scan3A_230, %rem3A_645 : i32
          %mul3A_647 = arith.constant 32 : i32
          %mul3A_648 = arith.muli %mul3A_647, %add3A_238 : i32
          %mul3A_649 = arith.constant 512 : i32
          %mul3A_650 = arith.muli %mul3A_649, %add3A_240 : i32
          %dma_start3A_651 = arith.constant 0 : i32
          %dma_start3A_652 = arith.constant 0 : i32
          %dma_start3A_653 = tpu.memref_slice %run_scoped3A_10[%rem3A_646, %dma_start3A_651, %dma_start3A_652] : memref<2x32x512xf32, #tpu.memory_space<vmem>> -> memref<1x32x512xf32, #tpu.memory_space<vmem>>
          %dma_start3A_654 = tpu.memref_squeeze %dma_start3A_653 : memref<1x32x512xf32, #tpu.memory_space<vmem>> -> memref<32x512xf32, #tpu.memory_space<vmem>>
          %dma_start3A_655 = tpu.memref_slice %arg4[%mul3A_648, %mul3A_650] : memref<32768x1024xf32, #tpu.memory_space<hbm>> -> memref<32x512xf32, #tpu.memory_space<hbm>>
          %dma_start3A_656 = tpu.memref_slice %run_scoped3A_11[%rem3A_646] : memref<2x!tpu.dma_semaphore, #tpu.memory_space<semaphore_mem>> -> memref<1x!tpu.dma_semaphore, #tpu.memory_space<semaphore_mem>>
          %dma_start3A_657 = tpu.memref_squeeze %dma_start3A_656 : memref<1x!tpu.dma_semaphore, #tpu.memory_space<semaphore_mem>> -> memref<!tpu.dma_semaphore, #tpu.memory_space<semaphore_mem>>
          %dma_start3A_658 = tpu.memref_slice %arg4[%mul3A_648, %mul3A_650] : memref<32768x1024xf32, #tpu.memory_space<hbm>> -> memref<32x512xf32, #tpu.memory_space<hbm>>
          %dma_start3A_659 = arith.constant 0 : i32
          %dma_start3A_660 = arith.constant 0 : i32
          %dma_start3A_661 = tpu.memref_slice %run_scoped3A_10[%rem3A_646, %dma_start3A_659, %dma_start3A_660] : memref<2x32x512xf32, #tpu.memory_space<vmem>> -> memref<1x32x512xf32, #tpu.memory_space<vmem>>
          %dma_start3A_662 = tpu.memref_squeeze %dma_start3A_661 : memref<1x32x512xf32, #tpu.memory_space<vmem>> -> memref<32x512xf32, #tpu.memory_space<vmem>>
          tpu.enqueue_dma source(%dma_start3A_662 : memref<32x512xf32, #tpu.memory_space<vmem>>) target(%dma_start3A_658 : memref<32x512xf32, #tpu.memory_space<hbm>>) target_semaphore(%dma_start3A_657 : memref<!tpu.dma_semaphore, #tpu.memory_space<semaphore_mem>>)
          "tpu.trace_stop"() : () -> ()
        } else {
        }
        %and3A_501 = arith.constant true
        %and3A_502 = arith.andi %or3A_497, %and3A_501 : i1
        %add3A_503 = arith.constant 1 : i32
        %add3A_504 = arith.addi %scan3A_230, %add3A_503 : i32
        %select_n3A_505 = arith.select %and3A_502, %add3A_504, %scan3A_230 : i32
        %ne3A_506 = arith.cmpi ne, %add3A_238, %add3A_256 : i32
        %ne3A_507 = arith.cmpi ne, %add3A_240, %add3A_258 : i32
        %or3A_508 = arith.constant false
        %or3A_509 = arith.ori %or3A_508, %ne3A_506 : i1
        %or3A_510 = arith.ori %or3A_509, %ne3A_507 : i1
        %not3A_511 = arith.constant true
        %not3A_512 = arith.xori %eq3A_235, %not3A_511 : i1
        %and3A_513 = arith.andi %or3A_510, %not3A_512 : i1
        %convert_element_type3A_514 = arith.extui %and3A_513 : i1 to i32
        %cond3A_515 = arith.constant 0 : i32
        %cond3A_516 = arith.cmpi ne, %convert_element_type3A_514, %cond3A_515 : i32
        scf.if %cond3A_516 {
        } else {
        }
        %and3A_517 = arith.constant false
        %and3A_518 = arith.andi %and3A_513, %and3A_517 : i1
        %jit3A_519 = arith.constant 256 : i32
        %eq3A_520 = arith.constant 0 : i32
        %eq3A_521 = arith.cmpi eq, %jit3A_519, %eq3A_520 : i32
        %jit3A_522 = arith.constant 1 : i32
        %select_n3A_523 = arith.select %eq3A_521, %jit3A_522, %jit3A_519 : i32
        %rem3A_524 = arith.remsi %add3A_238, %select_n3A_523 : i32
        %ne3A_525 = arith.constant 0 : i32
        %ne3A_526 = arith.cmpi ne, %rem3A_524, %ne3A_525 : i32
        %lt3A_527 = arith.constant 0 : i32
        %lt3A_528 = arith.cmpi slt, %rem3A_524, %lt3A_527 : i32
        %lt3A_529 = arith.constant 0 : i32
        %lt3A_530 = arith.cmpi slt, %select_n3A_523, %lt3A_529 : i32
        %ne3A_531 = arith.xori %lt3A_528, %lt3A_530 : i1
        %and3A_532 = arith.andi %ne3A_531, %ne3A_526 : i1
        %add3A_533 = arith.addi %rem3A_524, %select_n3A_523 : i32
        %select_n3A_534 = arith.select %and3A_532, %add3A_533, %rem3A_524 : i32
        %jit3A_535 = arith.constant 256 : i32
        %eq3A_536 = arith.constant 0 : i32
        %eq3A_537 = arith.cmpi eq, %jit3A_535, %eq3A_536 : i32
        %jit3A_538 = arith.constant 1 : i32
        %select_n3A_539 = arith.select %eq3A_537, %jit3A_538, %jit3A_535 : i32
        %rem3A_540 = arith.remsi %add3A_256, %select_n3A_539 : i32
        %ne3A_541 = arith.constant 0 : i32
        %ne3A_542 = arith.cmpi ne, %rem3A_540, %ne3A_541 : i32
        %lt3A_543 = arith.constant 0 : i32
        %lt3A_544 = arith.cmpi slt, %rem3A_540, %lt3A_543 : i32
        %lt3A_545 = arith.constant 0 : i32
        %lt3A_546 = arith.cmpi slt, %select_n3A_539, %lt3A_545 : i32
        %ne3A_547 = arith.xori %lt3A_544, %lt3A_546 : i1
        %and3A_548 = arith.andi %ne3A_547, %ne3A_542 : i1
        %add3A_549 = arith.addi %rem3A_540, %select_n3A_539 : i32
        %select_n3A_550 = arith.select %and3A_548, %add3A_549, %rem3A_540 : i32
        %ne3A_551 = arith.cmpi ne, %select_n3A_534, %select_n3A_550 : i32
        %ne3A_552 = arith.cmpi ne, %add3A_240, %add3A_258 : i32
        %or3A_553 = arith.constant false
        %or3A_554 = arith.ori %or3A_553, %ne3A_551 : i1
        %or3A_555 = arith.ori %or3A_554, %ne3A_552 : i1
        %not3A_556 = arith.constant true
        %not3A_557 = arith.xori %eq3A_235, %not3A_556 : i1
        %and3A_558 = arith.andi %or3A_555, %not3A_557 : i1
        %convert_element_type3A_559 = arith.extui %and3A_558 : i1 to i32
        %cond3A_560 = arith.constant 0 : i32
        %cond3A_561 = arith.cmpi ne, %convert_element_type3A_559, %cond3A_560 : i32
        scf.if %cond3A_561 {
        } else {
        }
        %and3A_562 = arith.constant false
        %and3A_563 = arith.andi %and3A_558, %and3A_562 : i1
        %ne3A_564 = arith.cmpi ne, %add3A_238, %add3A_256 : i32
        %ne3A_565 = arith.cmpi ne, %add3A_240, %add3A_258 : i32
        %or3A_566 = arith.constant false
        %or3A_567 = arith.ori %or3A_566, %ne3A_564 : i1
        %or3A_568 = arith.ori %or3A_567, %ne3A_565 : i1
        %not3A_569 = arith.constant true
        %not3A_570 = arith.xori %eq3A_235, %not3A_569 : i1
        %and3A_571 = arith.andi %or3A_568, %not3A_570 : i1
        %convert_element_type3A_572 = arith.extui %and3A_571 : i1 to i32
        %cond3A_573 = arith.constant 0 : i32
        %cond3A_574 = arith.cmpi ne, %convert_element_type3A_572, %cond3A_573 : i32
        scf.if %cond3A_574 {
          "tpu.trace_start"() <{level = 10 : i32, message = "ep_wait_out"}> : () -> ()
          %rem3A_645 = arith.constant 2 : i32
          %rem3A_646 = arith.remui %scan3A_231, %rem3A_645 : i32
          %mul3A_647 = arith.constant 32 : i32
          %mul3A_648 = arith.muli %mul3A_647, %add3A_256 : i32
          %mul3A_649 = arith.constant 512 : i32
          %mul3A_650 = arith.muli %mul3A_649, %add3A_258 : i32
          %dma_wait3A_651 = arith.constant 0 : i32
          %dma_wait3A_652 = arith.constant 0 : i32
          %dma_wait3A_653 = tpu.memref_slice %run_scoped3A_10[%rem3A_646, %dma_wait3A_651, %dma_wait3A_652] : memref<2x32x512xf32, #tpu.memory_space<vmem>> -> memref<1x32x512xf32, #tpu.memory_space<vmem>>
          %dma_wait3A_654 = tpu.memref_squeeze %dma_wait3A_653 : memref<1x32x512xf32, #tpu.memory_space<vmem>> -> memref<32x512xf32, #tpu.memory_space<vmem>>
          %dma_wait3A_655 = tpu.memref_slice %arg4[%mul3A_648, %mul3A_650] : memref<32768x1024xf32, #tpu.memory_space<hbm>> -> memref<32x512xf32, #tpu.memory_space<hbm>>
          %dma_wait3A_656 = tpu.memref_slice %run_scoped3A_11[%rem3A_646] : memref<2x!tpu.dma_semaphore, #tpu.memory_space<semaphore_mem>> -> memref<1x!tpu.dma_semaphore, #tpu.memory_space<semaphore_mem>>
          %dma_wait3A_657 = tpu.memref_squeeze %dma_wait3A_656 : memref<1x!tpu.dma_semaphore, #tpu.memory_space<semaphore_mem>> -> memref<!tpu.dma_semaphore, #tpu.memory_space<semaphore_mem>>
          %dma_wait3A_658 = tpu.memref_slice %arg4[%mul3A_648, %mul3A_650] : memref<32768x1024xf32, #tpu.memory_space<hbm>> -> memref<32x512xf32, #tpu.memory_space<hbm>>
          %dma_wait3A_659 = arith.constant 0 : i32
          %dma_wait3A_660 = arith.constant 0 : i32
          %dma_wait3A_661 = tpu.memref_slice %run_scoped3A_10[%rem3A_646, %dma_wait3A_659, %dma_wait3A_660] : memref<2x32x512xf32, #tpu.memory_space<vmem>> -> memref<1x32x512xf32, #tpu.memory_space<vmem>>
          %dma_wait3A_662 = tpu.memref_squeeze %dma_wait3A_661 : memref<1x32x512xf32, #tpu.memory_space<vmem>> -> memref<32x512xf32, #tpu.memory_space<vmem>>
          tpu.wait_dma2 semaphore(%dma_wait3A_657 : memref<!tpu.dma_semaphore, #tpu.memory_space<semaphore_mem>>) src(%dma_wait3A_662 : memref<32x512xf32, #tpu.memory_space<vmem>>) dst(%dma_wait3A_658 : memref<32x512xf32, #tpu.memory_space<hbm>>)
          "tpu.trace_stop"() : () -> ()
        } else {
        }
        %and3A_575 = arith.constant true
        %and3A_576 = arith.andi %and3A_571, %and3A_575 : i1
        %add3A_577 = arith.constant 1 : i32
        %add3A_578 = arith.addi %scan3A_231, %add3A_577 : i32
        %select_n3A_579 = arith.select %and3A_576, %add3A_578, %scan3A_231 : i32
        %ne3A_580 = arith.cmpi ne, %add3A_238, %add3A_274 : i32
        %ne3A_581 = arith.cmpi ne, %add3A_240, %add3A_276 : i32
        %or3A_582 = arith.constant false
        %or3A_583 = arith.ori %or3A_582, %ne3A_580 : i1
        %or3A_584 = arith.ori %or3A_583, %ne3A_581 : i1
        %or3A_585 = arith.ori %or3A_584, %eq3A_237 : i1
        %add3A_586 = arith.constant 1 : i32
        %add3A_587 = arith.addi %scan3A_227, %add3A_586 : i32
        %select_n3A_588 = arith.select %or3A_585, %add3A_587, %scan3A_227 : i32
        %jit3A_589 = arith.constant 256 : i32
        %eq3A_590 = arith.constant 0 : i32
        %eq3A_591 = arith.cmpi eq, %jit3A_589, %eq3A_590 : i32
        %jit3A_592 = arith.constant 1 : i32
        %select_n3A_593 = arith.select %eq3A_591, %jit3A_592, %jit3A_589 : i32
        %rem3A_594 = arith.remsi %add3A_238, %select_n3A_593 : i32
        %ne3A_595 = arith.constant 0 : i32
        %ne3A_596 = arith.cmpi ne, %rem3A_594, %ne3A_595 : i32
        %lt3A_597 = arith.constant 0 : i32
        %lt3A_598 = arith.cmpi slt, %rem3A_594, %lt3A_597 : i32
        %lt3A_599 = arith.constant 0 : i32
        %lt3A_600 = arith.cmpi slt, %select_n3A_593, %lt3A_599 : i32
        %ne3A_601 = arith.xori %lt3A_598, %lt3A_600 : i1
        %and3A_602 = arith.andi %ne3A_601, %ne3A_596 : i1
        %add3A_603 = arith.addi %rem3A_594, %select_n3A_593 : i32
        %select_n3A_604 = arith.select %and3A_602, %add3A_603, %rem3A_594 : i32
        %jit3A_605 = arith.constant 256 : i32
        %eq3A_606 = arith.constant 0 : i32
        %eq3A_607 = arith.cmpi eq, %jit3A_605, %eq3A_606 : i32
        %jit3A_608 = arith.constant 1 : i32
        %select_n3A_609 = arith.select %eq3A_607, %jit3A_608, %jit3A_605 : i32
        %rem3A_610 = arith.remsi %add3A_274, %select_n3A_609 : i32
        %ne3A_611 = arith.constant 0 : i32
        %ne3A_612 = arith.cmpi ne, %rem3A_610, %ne3A_611 : i32
        %lt3A_613 = arith.constant 0 : i32
        %lt3A_614 = arith.cmpi slt, %rem3A_610, %lt3A_613 : i32
        %lt3A_615 = arith.constant 0 : i32
        %lt3A_616 = arith.cmpi slt, %select_n3A_609, %lt3A_615 : i32
        %ne3A_617 = arith.xori %lt3A_614, %lt3A_616 : i1
        %and3A_618 = arith.andi %ne3A_617, %ne3A_612 : i1
        %add3A_619 = arith.addi %rem3A_610, %select_n3A_609 : i32
        %select_n3A_620 = arith.select %and3A_618, %add3A_619, %rem3A_610 : i32
        %ne3A_621 = arith.cmpi ne, %select_n3A_604, %select_n3A_620 : i32
        %ne3A_622 = arith.cmpi ne, %add3A_240, %add3A_276 : i32
        %or3A_623 = arith.constant false
        %or3A_624 = arith.ori %or3A_623, %ne3A_621 : i1
        %or3A_625 = arith.ori %or3A_624, %ne3A_622 : i1
        %or3A_626 = arith.ori %or3A_625, %eq3A_237 : i1
        %add3A_627 = arith.constant 1 : i32
        %add3A_628 = arith.addi %scan3A_229, %add3A_627 : i32
        %select_n3A_629 = arith.select %or3A_626, %add3A_628, %scan3A_229 : i32
        %add3A_630 = arith.constant 1 : i32
        %add3A_631 = arith.addi %scan3A_233, %add3A_630 : i32
        %select_n3A_632 = arith.constant true
        %select_n3A_633 = arith.select %select_n3A_632, %add3A_631, %scan3A_233 : i32
        %eq3A_634 = arith.constant 2 : i32
        %eq3A_635 = arith.cmpi eq, %select_n3A_633, %eq3A_634 : i32
        %select_n3A_636 = arith.constant 0 : i32
        %select_n3A_637 = arith.select %eq3A_635, %select_n3A_636, %select_n3A_633 : i32
        %add3A_638 = arith.constant 1 : i32
        %add3A_639 = arith.addi %scan3A_232, %add3A_638 : i32
        %select_n3A_640 = arith.select %eq3A_635, %add3A_639, %scan3A_232 : i32
        %eq3A_641 = arith.constant 32 : i32
        %eq3A_642 = arith.cmpi eq, %select_n3A_640, %eq3A_641 : i32
        %select_n3A_643 = arith.constant 0 : i32
        %select_n3A_644 = arith.select %eq3A_642, %select_n3A_643, %select_n3A_640 : i32
        scf.yield %select_n3A_307, %select_n3A_588, %select_n3A_357, %select_n3A_629, %select_n3A_505, %select_n3A_579, %select_n3A_644, %select_n3A_637 : i32, i32, i32, i32, i32, i32, i32, i32
      }
      %scan3A_136 = arith.constant 64 : i32
      %sub3A = arith.constant 1 : i32
      %sub3A_137 = arith.subi %scan3A_135#7, %sub3A : i32
      %select_n3A_138 = arith.constant true
      %select_n3A_139 = arith.select %select_n3A_138, %sub3A_137, %scan3A_135#7 : i32
      %eq3A_140 = arith.constant -1 : i32
      %eq3A_141 = arith.cmpi eq, %select_n3A_139, %eq3A_140 : i32
      %select_n3A_142 = arith.constant 1 : i32
      %select_n3A_143 = arith.select %eq3A_141, %select_n3A_142, %select_n3A_139 : i32
      %sub3A_144 = arith.constant 1 : i32
      %sub3A_145 = arith.subi %scan3A_135#6, %sub3A_144 : i32
      %select_n3A_146 = arith.select %eq3A_141, %sub3A_145, %scan3A_135#6 : i32
      %eq3A_147 = arith.constant -1 : i32
      %eq3A_148 = arith.cmpi eq, %select_n3A_146, %eq3A_147 : i32
      %select_n3A_149 = arith.constant 31 : i32
      %select_n3A_150 = arith.select %eq3A_148, %select_n3A_149, %select_n3A_146 : i32
      %add3A_151 = arith.addi %select_n3A_150, %mul3A_6 : i32
      %add3A_152 = arith.constant 0 : i32
      %add3A_153 = arith.addi %select_n3A_143, %add3A_152 : i32
      %sub3A_154 = arith.constant 1 : i32
      %sub3A_155 = arith.subi %select_n3A_143, %sub3A_154 : i32
      %select_n3A_156 = arith.constant true
      %select_n3A_157 = arith.select %select_n3A_156, %sub3A_155, %select_n3A_143 : i32
      %eq3A_158 = arith.constant -1 : i32
      %eq3A_159 = arith.cmpi eq, %select_n3A_157, %eq3A_158 : i32
      %select_n3A_160 = arith.constant 1 : i32
      %select_n3A_161 = arith.select %eq3A_159, %select_n3A_160, %select_n3A_157 : i32
      %sub3A_162 = arith.constant 1 : i32
      %sub3A_163 = arith.subi %select_n3A_150, %sub3A_162 : i32
      %select_n3A_164 = arith.select %eq3A_159, %sub3A_163, %select_n3A_150 : i32
      %eq3A_165 = arith.constant -1 : i32
      %eq3A_166 = arith.cmpi eq, %select_n3A_164, %eq3A_165 : i32
      %select_n3A_167 = arith.constant 31 : i32
      %select_n3A_168 = arith.select %eq3A_166, %select_n3A_167, %select_n3A_164 : i32
      %add3A_169 = arith.addi %select_n3A_168, %mul3A_6 : i32
      %add3A_170 = arith.constant 0 : i32
      %add3A_171 = arith.addi %select_n3A_161, %add3A_170 : i32
      %add3A_172 = arith.constant 1 : i32
      %add3A_173 = arith.addi %select_n3A_143, %add3A_172 : i32
      %select_n3A_174 = arith.constant true
      %select_n3A_175 = arith.select %select_n3A_174, %add3A_173, %select_n3A_143 : i32
      %eq3A_176 = arith.constant 2 : i32
      %eq3A_177 = arith.cmpi eq, %select_n3A_175, %eq3A_176 : i32
      %select_n3A_178 = arith.constant 0 : i32
      %select_n3A_179 = arith.select %eq3A_177, %select_n3A_178, %select_n3A_175 : i32
      %add3A_180 = arith.constant 1 : i32
      %add3A_181 = arith.addi %select_n3A_150, %add3A_180 : i32
      %select_n3A_182 = arith.select %eq3A_177, %add3A_181, %select_n3A_150 : i32
      %eq3A_183 = arith.constant 32 : i32
      %eq3A_184 = arith.cmpi eq, %select_n3A_182, %eq3A_183 : i32
      %select_n3A_185 = arith.constant 0 : i32
      %select_n3A_186 = arith.select %eq3A_184, %select_n3A_185, %select_n3A_182 : i32
      %add3A_187 = arith.addi %select_n3A_186, %mul3A_6 : i32
      %add3A_188 = arith.constant 0 : i32
      %add3A_189 = arith.addi %select_n3A_179, %add3A_188 : i32
      %add3A_190 = arith.constant 1 : i32
      %add3A_191 = arith.addi %select_n3A_179, %add3A_190 : i32
      %select_n3A_192 = arith.constant true
      %select_n3A_193 = arith.select %select_n3A_192, %add3A_191, %select_n3A_179 : i32
      %eq3A_194 = arith.constant 2 : i32
      %eq3A_195 = arith.cmpi eq, %select_n3A_193, %eq3A_194 : i32
      %select_n3A_196 = arith.constant 0 : i32
      %select_n3A_197 = arith.select %eq3A_195, %select_n3A_196, %select_n3A_193 : i32
      %add3A_198 = arith.constant 1 : i32
      %add3A_199 = arith.addi %select_n3A_186, %add3A_198 : i32
      %select_n3A_200 = arith.select %eq3A_195, %add3A_199, %select_n3A_186 : i32
      %eq3A_201 = arith.constant 32 : i32
      %eq3A_202 = arith.cmpi eq, %select_n3A_200, %eq3A_201 : i32
      %select_n3A_203 = arith.constant 0 : i32
      %select_n3A_204 = arith.select %eq3A_202, %select_n3A_203, %select_n3A_200 : i32
      %add3A_205 = arith.addi %select_n3A_204, %mul3A_6 : i32
      %add3A_206 = arith.constant 0 : i32
      %add3A_207 = arith.addi %select_n3A_197, %add3A_206 : i32
      "tpu.trace_start"() <{level = 10 : i32, message = "ep_finalize"}> : () -> ()
      %rem3A_208 = arith.constant 2 : i32
      %rem3A_209 = arith.remui %scan3A_135#5, %rem3A_208 : i32
      %mul3A_210 = arith.constant 32 : i32
      %mul3A_211 = arith.muli %mul3A_210, %add3A_151 : i32
      %mul3A_212 = arith.constant 512 : i32
      %mul3A_213 = arith.muli %mul3A_212, %add3A_153 : i32
      %dma_wait3A = arith.constant 0 : i32
      %dma_wait3A_214 = arith.constant 0 : i32
      %dma_wait3A_215 = tpu.memref_slice %run_scoped3A_10[%rem3A_209, %dma_wait3A, %dma_wait3A_214] : memref<2x32x512xf32, #tpu.memory_space<vmem>> -> memref<1x32x512xf32, #tpu.memory_space<vmem>>
      %dma_wait3A_216 = tpu.memref_squeeze %dma_wait3A_215 : memref<1x32x512xf32, #tpu.memory_space<vmem>> -> memref<32x512xf32, #tpu.memory_space<vmem>>
      %dma_wait3A_217 = tpu.memref_slice %arg4[%mul3A_211, %mul3A_213] : memref<32768x1024xf32, #tpu.memory_space<hbm>> -> memref<32x512xf32, #tpu.memory_space<hbm>>
      %dma_wait3A_218 = tpu.memref_slice %run_scoped3A_11[%rem3A_209] : memref<2x!tpu.dma_semaphore, #tpu.memory_space<semaphore_mem>> -> memref<1x!tpu.dma_semaphore, #tpu.memory_space<semaphore_mem>>
      %dma_wait3A_219 = tpu.memref_squeeze %dma_wait3A_218 : memref<1x!tpu.dma_semaphore, #tpu.memory_space<semaphore_mem>> -> memref<!tpu.dma_semaphore, #tpu.memory_space<semaphore_mem>>
      %dma_wait3A_220 = tpu.memref_slice %arg4[%mul3A_211, %mul3A_213] : memref<32768x1024xf32, #tpu.memory_space<hbm>> -> memref<32x512xf32, #tpu.memory_space<hbm>>
      %dma_wait3A_221 = arith.constant 0 : i32
      %dma_wait3A_222 = arith.constant 0 : i32
      %dma_wait3A_223 = tpu.memref_slice %run_scoped3A_10[%rem3A_209, %dma_wait3A_221, %dma_wait3A_222] : memref<2x32x512xf32, #tpu.memory_space<vmem>> -> memref<1x32x512xf32, #tpu.memory_space<vmem>>
      %dma_wait3A_224 = tpu.memref_squeeze %dma_wait3A_223 : memref<1x32x512xf32, #tpu.memory_space<vmem>> -> memref<32x512xf32, #tpu.memory_space<vmem>>
      tpu.wait_dma2 semaphore(%dma_wait3A_219 : memref<!tpu.dma_semaphore, #tpu.memory_space<semaphore_mem>>) src(%dma_wait3A_224 : memref<32x512xf32, #tpu.memory_space<vmem>>) dst(%dma_wait3A_220 : memref<32x512xf32, #tpu.memory_space<hbm>>)
      "tpu.trace_stop"() : () -> ()
      tpu.yield
    }) : () -> ()
    return
  }
}

</mosaic_0001>

<sc_bundles>
// kernel: kernel.3.cloned.1.call-start
scs
__scs_entry_jumppad:
0x0: {  	(pc) =	sbr.rel $0x88, $3  }
0x1: {  	(tag) =	ssettag $0x0;
	lr =	simm.s32 $0x1  }
0x2: {  	[smem:$0x3F9F] =	sst lr;
	_ =	strace $0xD0000000  }
0x3: {  	_ = 	snop  }
0x4: {  	_ = 	snop  }
0x5: {  	_ = 	snop  }
0x6: {  	_ = 	snop  }
0x7: {  	_ = 	snop  }
__scs_overlays_trampoline_lowered:
0x8: {  	[smem:$0x3FAE] =	sst s0  }
0x9: {  	[smem:$0x3FAF] =	sst s1  }
0xa: {  	[smem:$0x3FB0] =	sst s2  }
0xb: {  	[smem:$0x3FB1] =	sst s3  }
0xc: {  	[smem:$0x3FB2] =	sst s4  }
0xd: {  	[smem:$0x3FB3] =	sst s5  }
0xe: {  	[smem:$0x3FB4] =	sst s6  }
0xf: {  	[smem:$0x3FB5] =	sst s7  }
0x10: {  	[smem:$0x3FB6] =	sst s8  }
0x11: {  	[smem:$0x3FB7] =	sst s9;
	s0 =	simm.s32 @!p0 $0x0  }
0x12: {  	s1 =	sld [smem:$0x3F9D];
	s0 =	simm.s32 @p0 $0x1  }
0x13: {  	[smem:$0x3FB8] =	sst s0;
	s0 =	simm.s32 @!p1 $0x0  }
0x14: {  	s2 =	sld [smem:$0x3F9C];
	s0 =	simm.s32 @p1 $0x1  }
0x15: {  	[smem:$0x3FB9] =	sst s0;
	s0 =	simm.s32 @!p2 $0x0  }
0x16: {  	s3 =	sld [smem:$0x3FDB];
	s0 =	simm.s32 @p2 $0x1  }
0x17: {  	s4 =	simm.s32 $0x1BF5;
	[smem:$0x3FBB] =	sst s0  }
0x18: {  	s0 =	sld [smem:$0x3F9E];
	_ =	swait.ge [sflag:s4], $0x0  }
0x19: {  	s7 =	sld [smem:$0x3F9F]  }
0x1a: {  	s8 =	sadd.s32 $0xFFFFE003, lr  }
0x1b: {  	s9 =	sadd.s32 $0xFFFFFEF7, lr;
	s5 =	simm.s32 $0xFFFFFFFF;
	p2 =	slt.u32 s8, $0xFFFFF086  }
0x1c: {  	p1 =	slt.u32 s9, $0xF7A;
	s5 =	simm.s32 @!p2 $0x0  }
0x1d: {  	s5 =	simm.s32 @p1 $0x1;
	p0 =	seq.s32 s7, s2  }
0x1e: {  	s7 =	smul.u32 @!p0 $0xF7A, s2;
	p2 =	seq.s32 @!p0 s5, $0x0  }
0x1f: {  	s9 =	smul.u32 $0xF7A, s1;
	s8 =	simm.s32 @!p0 $0x1BF5;
	p2 =	por !p2, p0  }
0x20: {  	[sflag:s8] =	ssyncset.s32 @!p0 $0xFFFFF086;
	s6 =	sadd.s32 @!p0 s3, s7;
	s7 =	simm.s32 @!p0 $0x108  }
0x21: {  	s3 =	sadd.s32 s3, s9;
	s6 =	sadd.s32 @!p0 $0x88, s6;
	s7 =	simm.s32 @p2 $0x1082  }
0x22: {  	[simem:s7], [sflag:s8] =	dma.local @!p0 [hbm:s6], $0xF7A  }
0x23: {  	s9 =	sor.u32 $0xD0000000, s2;
	s6 =	simm.s32 $0x108;
	_ =	swait.ge @!p0 [sflag:s8], $0x0  }
0x24: {  	s3 =	sadd.s32 $0x88, s3;
	s6 =	simm.s32 @!p1 $0x1082;
	[sflag:s4] =	ssyncset.s32 $0xFFFFF086  }
0x25: {  	[simem:s6], [sflag:s4] =	dma.local [hbm:s3], $0xF7A  }
0x26: {  	[smem:$0x3F9F] =	sst s1;
	(tag) =	ssettag s2;
	_ =	strace s9  }
0x27: {  	s1 =	sld [smem:$0x3FAF]  }
0x28: {  	s2 =	sld [smem:$0x3FB0]  }
0x29: {  	s4 =	sld [smem:$0x3FB2]  }
0x2a: {  	p0 =	seq.s32 s5, $0x0;
	s5 =	sld [smem:$0x3FB3]  }
0x2b: {  	s6 =	sld [smem:$0x3FB4]  }
0x2c: {  	s7 =	sld [smem:$0x3FB5]  }
0x2d: {  	s3 =	simm.s32 $0x108;
	s8 =	sld [smem:$0x3FB6]  }
0x2e: {  	s3 =	simm.s32 @!p0 $0x1082;
	s9 =	sld [smem:$0x3FB7]  }
0x2f: {  	lr =	sadd.s32 s0, s3;
	s0 =	sld [smem:$0x3FAE]  }
0x30: {  	s3 =	sld [smem:$0x3FB1]  }
0x31: {  	[smem:$0x3FBA] =	sst s10  }
0x32: {  	s10 =	sld [smem:$0x3FB8];
	_ =	sdelay $0x3  }
0x33: {  	p0 =	seq.s32 s10, $0x1;
	s10 =	sld [smem:$0x3FBA];
	_ =	sdelay $0x3  }
0x34: {  	[smem:$0x3FBA] =	sst s10  }
0x35: {  	s10 =	sld [smem:$0x3FB9];
	_ =	sdelay $0x3  }
0x36: {  	p1 =	seq.s32 s10, $0x1;
	s10 =	sld [smem:$0x3FBA];
	_ =	sdelay $0x3  }
0x37: {  	[smem:$0x3FBA] =	sst s10  }
0x38: {  	s10 =	sld [smem:$0x3FBB]  }
0x39: {  	_ = 	snop;
	(pc) =	sbr.ind lr, $3  }
0x3a: {  	_ = 	snop  }
0x3b: {  	_ = 	snop  }
0x3c: {  	p2 =	seq.s32 s10, $0x1;
	s10 =	sld [smem:$0x3FBA]  }
0x3d: {  	_ =	shalt  }
0x3e: {  	_ =	shalt  }
0x3f: {  	_ =	shalt  }
0x40: {  	_ =	shalt  }
0x41: {  	_ =	shalt  }
0x42: {  	_ =	shalt  }
0x43: {  	_ =	shalt  }
0x44: {  	_ =	shalt  }
0x45: {  	_ =	shalt  }
0x46: {  	_ =	shalt  }
0x47: {  	_ =	shalt  }
0x48: {  	_ =	shalt  }
0x49: {  	_ =	shalt  }
0x4a: {  	_ =	shalt  }
0x4b: {  	_ =	shalt  }
0x4c: {  	_ =	shalt  }
0x4d: {  	_ =	shalt  }
0x4e: {  	_ =	shalt  }
0x4f: {  	_ =	shalt  }
0x50: {  	_ =	shalt  }
0x51: {  	_ =	shalt  }
0x52: {  	_ =	shalt  }
0x53: {  	_ =	shalt  }
0x54: {  	_ =	shalt  }
0x55: {  	_ =	shalt  }
0x56: {  	_ =	shalt  }
0x57: {  	_ =	shalt  }
0x58: {  	_ =	shalt  }
0x59: {  	_ =	shalt  }
0x5a: {  	_ =	shalt  }
0x5b: {  	_ =	shalt  }
0x5c: {  	_ =	shalt  }
0x5d: {  	_ =	shalt  }
0x5e: {  	_ =	shalt  }
0x5f: {  	_ =	shalt  }
0x60: {  	_ =	shalt  }
0x61: {  	_ =	shalt  }
0x62: {  	_ =	shalt  }
0x63: {  	_ =	shalt  }
0x64: {  	_ =	shalt  }
0x65: {  	_ =	shalt  }
0x66: {  	_ =	shalt  }
0x67: {  	_ =	shalt  }
0x68: {  	_ =	shalt  }
0x69: {  	_ =	shalt  }
0x6a: {  	_ =	shalt  }
0x6b: {  	_ =	shalt  }
0x6c: {  	_ =	shalt  }
0x6d: {  	_ =	shalt  }
0x6e: {  	_ =	shalt  }
0x6f: {  	_ =	shalt  }
0x70: {  	_ =	shalt  }
0x71: {  	_ =	shalt  }
0x72: {  	_ =	shalt  }
0x73: {  	_ =	shalt  }
0x74: {  	_ =	shalt  }
0x75: {  	_ =	shalt  }
0x76: {  	_ =	shalt  }
0x77: {  	_ =	shalt  }
0x78: {  	_ =	shalt  }
0x79: {  	_ =	shalt  }
0x7a: {  	_ =	shalt  }
0x7b: {  	_ =	shalt  }
0x7c: {  	_ =	shalt  }
0x7d: {  	_ =	shalt  }
0x7e: {  	_ =	shalt  }
0x7f: {  	_ =	shalt  }
0x80: {  	_ =	shalt  }
0x81: {  	_ =	shalt  }
0x82: {  	_ =	shalt  }
0x83: {  	_ =	shalt  }
0x84: {  	_ =	shalt  }
0x85: {  	_ =	shalt  }
0x86: {  	_ =	shalt  }
0x87: {  	_ =	shalt  }
.Lfunc_end0:
.L_simem_size_0:
called_computation_lowered:
.L_overlay_start_0:
0x88: {  	s2 =	sld [smem:$0x3FD9]  }
0x89: {  	s3 =	sld [smem:$0x3FFE];
	_ =	sdelay $0x1  }
0x8a: {  	s1 =	srdreg.scid  }
0x8b: {  	s0 =	sand.u32 $0x1, s1  }
0x8c: {  	s18 =	sshll.u32 s0, $0xA;
	s2 =	sadd.s32 s3, s2  }
0x8d: {  	s2 =	sadd.s32 s2, s18  }
0x8e: {  	[smem:$0x3FC6] =	sst s2  }
0x8f: {  	_ = 	snop  }
0x90: {  	s2 =	sld [smem:$0x3FC9]  }
0x91: {  	s19 =	sld [smem:$0x3FC8]  }
0x92: {  	s4 =	sld [smem:$0x3FD0];
	(tm) =	ssettm $0x1  }
0x93: {  	s5 =	sld [smem:$0x3FFB];
	_ =	sdelay $0x3  }
0x94: {  	_ =	strace s5  }
0x95: {  	s5 =	sld [smem:$0x3FFC];
	_ =	sdelay $0x3  }
0x96: {  	_ =	strace s5  }
0x97: {  	s5 =	sld [smem:$0x3FFD];
	_ =	sdelay $0x3  }
0x98: {  	_ =	strace s5  }
0x99: {  	_ =	strace $0x8FFFFFFF  }
0x9a: {  	s20 =	sld [smem:$0x3FDB];
	_ =	sdelay $0x1  }
0x9b: {  	s6 =	simm.s32 $_scs_section_size  }
0x9c: {  	s7 =	simm.s32 $_size__tile_overlayer_lowered;
	s8 =	simm.s32 $_tile_overlayer_lowered  }
0x9d: {  	s23 =	simm.s32 $0x1BFF;
	s22 =	sshll.u32 s8, $0x1;
	s5 =	sadd.s32 s6, s20  }
0x9e: {  	s9 =	simm.s32 $0x0;
	s21 =	sshll.u32 s7, $0x1;
	s7 =	sadd.s32 s22, s5  }
0x9f: {  	[timem:s9], [sflag:s23] =	dma.local [hbm:s7], s21  }
0xa0: {  	_ =	swait.ge [sflag:s23], s21  }
0xa1: {  	s6 =	ssub.s32 $0x0, s21;
	[sflag:s23] =	ssyncset.done $0x0  }
0xa2: {  	[sflag:s23] =	ssyncadd.s32 s6;
	_ =	sdelay $0x1  }
0xa3: {  	s24 =	simm.s32 $0x1B8B  }
0xa4: {  	_ =	swait.ge [sflag:s24], $0x1  }
0xa5: {  	[sflag:s24] =	ssyncset.done $0x0  }
0xa6: {  	s25 =	simm.s32 $0x1B8E;
	[sflag:s24] =	ssyncadd.s32 $0xFFFFFFFF  }
0xa7: {  	s26 =	simm.s32 $execute0_lowered;
	[smem:$0x3FD2] =	sst s25  }
0xa8: {  	s6 =	sshll.u32 s26, $0x1;
	_ =	strace $0x80000046;
	[dreg:$0x1] =	wrdreg $0xFFFFFFFF  }
0xa9: {  	s28 =	simm.s32 $_size_execute0_lowered;
	s5 =	sadd.s32 s5, s6;
	[dreg:$0x0] =	wrdreg $0x0  }
0xaa: {  	s6 =	sshll.u32 s28, $0x1;
	[dreg:$0x2] =	wrdreg s5  }
0xab: {  	[dreg:$0x3] =	wrdreg s6  }
0xac: {  	[dreg:$0x4] =	wrdreg $0xC0  }
0xad: {  	_ =	task [dreg:s9], $0x5FFFF  }
0xae: {  	[dreg:$0x1] =	wrdreg $0xFFFFFFFF  }
0xaf: {  	[dreg:$0x0] =	wrdreg $0x60  }
0xb0: {  	[dreg:$0x2] =	wrdreg s2  }
0xb1: {  	[dreg:$0x3] =	wrdreg s19  }
0xb2: {  	[dreg:$0x4] =	wrdreg s4  }
0xb3: {  	[dreg:$0x5] =	wrdreg $0x9  }
0xb4: {  	_ =	task.clear_ibuf [dreg:s9], $0x6FFFF;
	_ =	strace $0x90000046  }
0xb5: {  	s29 =	simm.s32 $0x9;
	_ =	strace $0x80000051  }
0xb6: {  	_ =	swait.ge [sflag:s29], $0x1  }
0xb7: {  	[sflag:s29] =	ssyncadd.s32 $0xFFFFFFFF  }
0xb8: {  	_ =	strace $0x90000051  }
0xb9: {  	_ =	sfence  }
0xba: {  	s30 =	sld [smem:$0x0];
	_ =	sdelay $0x2  }
0xbb: {  	s31 =	sshll.u32 s1, $0xD;
	s1 =	sshrl.u32 s1, $0x2  }
0xbc: {  	s3 =	sand.u32 $0x4000, s31;
	s1 =	sadd.s32 s1, s30  }
0xbd: {  	s0 =	sor.u32 s3, s0;
	s1 =	sshll.u32 s1, $0x11  }
0xbe: {  	s0 =	sor.u32 s1, s0  }
0xbf: {  	s0 =	sadd.s32 $0x8F2B, s0  }
0xc0: {  	[sflag:s0] =	ssyncadd.remote.s32 $0x1  }
0xc1: {  	_ =	sfence.sel $0xFFFF  }
0xc2: {  	[dreg:$0x0] =	wrdreg $0xFFFFFFFF;
	(pc) =	sbr.abs _section_cstart, $3  }
0xc3: {  	[dreg:$0x1] =	wrdreg $0xFFFFFFFF  }
0xc4: {  	_ =	task.clear_ibuf [dreg:s9], $0x2FFFF;
	_ =	strace $0x9FFFFFFF  }
0xc5: {  	(tm) =	ssettm $0x7FFFFFFF  }
tec
execute0_lowered:
.L_overlay_start_1:
0x0: {  	(tag) =	ssettag $0x1  }
0x1: {  	s1 =	rddreg [dreg:$0x0]  }
0x2: {  	s2 =	rddreg [dreg:$0x1]  }
0x3: {  	s3 =	rddreg [dreg:$0x2];
	s4 =	simm.s32 $0x0;
	s5 =	srdreg.scid  }
0x4: {  	s11 =	simm.s32 $0x2000;
	s12 =	simm.s32 $0x8000;
	s13 =	simm.s32 $0x6  }
0x5: {  	s14 =	simm.s32 $0x0;
	[smem:$0x7FF] =	sst s4;
	s6 =	sand.u32 $0x1, s5  }
0x6: {  	s5 =	stileid.u32;
	_ =	strace $0x80000047;
	s7 =	ssub.s32 $0x2, s6  }
0x7: {  	s6 =	sshll.u32 s6, $0x4;
	s9 =	sshll.u32 s5, $0x11;
	s8 =	sshrl.u32 s7, $0x1  }
0x8: {  	s6 =	sor.u32 s5, s6;
	s31 =	sand.u32 $0xE0000, s9;
	s10 =	ssub.s32 s7, s8  }
0x9: {  	s30 =	sshll.u32 s6, $0x11;
	s6 =	sshll.u32 s6, $0x5;
	s8 =	sadd.s32 s2, s31  }
0xa: {  	s7 =	sadd.s32 s1, s30;
	s9 =	smax.u32 s10, $0x1;
	s10 =	simm.s32 $0x1000  }
.LBB2_1:
0xb: {  	_ =	strace $0x80000048;
	s24 =	simm.s32 $0x0  }
0xc: {  	s16 =	simm.s32 $0x0;
	s15 =	simm.s32 $0x0;
	s17 =	simm.s32 $0x0  }
0xd: {  	[tilespmem:s4], [sflag:$0x1] =	stream.strided.gather [hbm4b:s7+s10], $0x4000, s11, s10, $0x200038;
	[tilespmem:$0x18000] =	vst v63  }
0xe: {  	s18 =	simm.s32 $0x0;
	s19 =	simm.s32 $0x1;
	s20 =	simm.s32 $0x0  }
0xf: {  	[tilespmem:s12], [sflag:$0x3] =	stream.strided.gather [hbm4b:s8+s10], $0x4000, s11, s10, $0x200038;
	[tilespmem:$0x18000] =	vst v63  }
0x10: {  	s21 =	simm.s32 $0x1;
	s22 =	simm.s32 $0x0;
	_ =	strace $0x90000048  }
.LBB2_2:
0x11: {  	s23 =	sadd.s32 $0x1, s24  }
0x12: {  	s25 =	simm.s32 $0x1;
	p0 =	seq.s32 s23, $0x2  }
0x13: {  	s25 =	simm.s32 @!p0 $0x0  }
0x14: {  	s26 =	smov.u32 s16;
	s16 =	sadd.s32 s25, s16  }
0x15: {  	p1 =	seq.s32 s16, $0x20  }
0x16: {  	s23 =	simm.s32 @p0 $0x0;
	s16 =	simm.s32 @p1 $0x0  }
0x17: {  	p2 =	sne.s32 s22, $0x3F;
	p4 =	sne.s32 s24, s23;
	p5 =	sne.s32 s26, s16  }
0x18: {  	s25 =	sadd.s32 s6, s26;
	s26 =	sadd.s32 s6, s16;
	p1 =	por p4, p5  }
0x19: {  	s28 =	sand.u32 $0xFF, s25;
	s29 =	sand.u32 $0xFF, s26;
	p0 =	por !p2, !p1  }
0x1a: {  	p6 =	sne.s32 s28, s29;
	p3 =	por !p0, !p0  }
0x1b: {  	p0 =	por p4, p6;
	s26 =	sshll.u32 @p3 s26, $0xF  }
0x1c: {  	s28 =	sshll.u32 @p3 s23, $0xC;
	_ =	strace @p3 $0x80000049;
	s31 =	simm.s32 @p3 $0x1000  }
0x1d: {  	s0 =	simm.s32 @p3 $0x2000;
	p2 =	por !p2, !p0;
	s26 =	sadd.s32 @p3 s28, s26  }
0x1e: {  	s28 =	sand.u32 @p3 $0x1, s21;
	p2 =	por !p2, !p2;
	s26 =	sshrl.u32 @p3 s26, $0x3  }
0x1f: {  	s30 =	sshll.u32 @p3 s28, $0xE;
	s28 =	sadd.s32 @p3 $0x1, s28;
	s26 =	sadd.s32 @p3 s1, s26  }
0x20: {  	[tilespmem:s30], [sflag:s28] =	stream.strided.gather @p3 [hbm4b:s26+s31], $0x4000, s0, s31, $0x200038;
	[tilespmem:$0x18000] =	vst v63  }
0x21: {  	s0 =	sshll.u32 @p2 s29, $0xF  }
0x22: {  	s26 =	sshll.u32 @p2 s23, $0xC;
	s28 =	sand.u32 @p2 $0x1, s19;
	s29 =	simm.s32 @p2 $0x1000  }
0x23: {  	s30 =	simm.s32 @p2 $0x2000;
	_ =	strace @p3 $0x90000049;
	s0 =	sadd.s32 @p2 s26, s0  }
0x24: {  	s26 =	sshll.u32 @p2 s28, $0xE;
	s28 =	sadd.s32 @p2 $0x3, s28;
	s0 =	sshrl.u32 @p2 s0, $0x3  }
0x25: {  	_ =	strace @p2 $0x8000004A;
	s26 =	sor.u32 @p2 $0x8000, s26;
	s0 =	sadd.s32 @p2 s2, s0  }
0x26: {  	[tilespmem:s26], [sflag:s28] =	stream.strided.gather @p2 [hbm4b:s0+s29], $0x4000, s30, s29, $0x200038;
	[tilespmem:$0x18000] =	vst v63  }
0x27: {  	s26 =	sand.u32 $0x1, s20;
	_ =	strace @p2 $0x9000004A  }
0x28: {  	s0 =	sadd.s32 $0x1, s26;
	_ =	strace $0x8000004B  }
0x29: {  	_ =	swait.ge [sflag:s0], $0x4000  }
0x2a: {  	[sflag:s0] =	ssyncset.done $0x0  }
0x2b: {  	[sflag:s0] =	ssyncadd.s32 $0xFFFFC000  }
0x2c: {  	s30 =	sand.u32 $0x1, s18;
	_ =	strace $0x9000004B  }
0x2d: {  	s0 =	sadd.s32 $0x3, s30;
	_ =	strace $0x8000004C  }
0x2e: {  	_ =	swait.ge [sflag:s0], $0x4000  }
0x2f: {  	s31 =	sshll.u32 s18, $0xE;
	s28 =	sshll.u32 s20, $0xE;
	[sflag:s0] =	ssyncset.done $0x0  }
0x30: {  	[sflag:s0] =	ssyncadd.s32 $0xFFFFC000;
	s0 =	sand.u32 $0x4000, s31;
	s31 =	sand.u32 $0x4000, s28  }
0x31: {  	s26 =	sand.u32 $0x1, s17;
	s0 =	sor.u32 $0x8000, s0;
	v0 =	vmov s31  }
0x32: {  	s29 =	simm.s32 $0x1;
	s30 =	sshll.u32 s26, $0xE;
	v1 =	vmov s0  }
0x33: {  	s29 =	simm.s32 @!p3 $0x0;
	s28 =	sor.u32 $0x10000, s30;
	_ =	strace $0x9000004C  }
0x34: {  	s21 =	sadd.s32 s29, s21;
	s29 =	simm.s32 $0x0;
	v2 =	vmov s28;
	_ =	strace $0x8000004D  }
.LBB2_3:
0x35: {  	s0 =	sshll.u32 s29, $0x9;
	s30 =	sshll.u32 s29, $0x7  }
0x36: {  	s0 =	sand.u32 $0x3000, s0;
	s30 =	sand.u32 $0x380, s30  }
0x37: {  	p3 =	por $0x1, $0x1;
	s31 =	simm.s32 $0x0;
	s30 =	sor.u32 s0, s30  }
.LBB2_4:
0x38: {  	s31 =	sor.u32 s31, s30  }
0x39: {  	v3 =	vld.idx.msk [tilespmem:v0+s31+$0x0 ss:$0x1], $0xffff  }
0x3a: {  	v4 =	vld.idx.msk [tilespmem:v1+s31+$0x0 ss:$0x1], $0xffff;
	_ =	sdelay $0x4  }
0x3b: {  	v3 =	vadd.f32 v4, v3;
	_ =	sdelay $0x1  }
0x3c: {  	s0 =	sor.u32 $0x10, s31;
	[tilespmem:v2+s31+$0x0 ss:$0x1] =	vst.idx.msk $0xffff, v3  }
0x3d: {  	v3 =	vld.idx.msk [tilespmem:v0+s0+$0x0 ss:$0x1], $0xffff  }
0x3e: {  	v49 =	vld.idx.msk [tilespmem:v1+s0+$0x0 ss:$0x1], $0xffff;
	_ =	sdelay $0x4  }
0x3f: {  	v3 =	vadd.f32 v49, v3;
	_ =	sdelay $0x1  }
0x40: {  	[tilespmem:v2+s0+$0x0 ss:$0x1] =	vst.idx.msk $0xffff, v3;
	s0 =	sor.u32 $0x20, s31  }
0x41: {  	v3 =	vld.idx.msk [tilespmem:v0+s0+$0x0 ss:$0x1], $0xffff  }
0x42: {  	v50 =	vld.idx.msk [tilespmem:v1+s0+$0x0 ss:$0x1], $0xffff;
	_ =	sdelay $0x4  }
0x43: {  	v3 =	vadd.f32 v50, v3;
	_ =	sdelay $0x1  }
0x44: {  	[tilespmem:v2+s0+$0x0 ss:$0x1] =	vst.idx.msk $0xffff, v3;
	s0 =	sor.u32 $0x30, s31  }
0x45: {  	v3 =	vld.idx.msk [tilespmem:v0+s0+$0x0 ss:$0x1], $0xffff  }
0x46: {  	v51 =	vld.idx.msk [tilespmem:v1+s0+$0x0 ss:$0x1], $0xffff;
	_ =	sdelay $0x4  }
0x47: {  	v3 =	vadd.f32 v51, v3;
	_ =	sdelay $0x1  }
0x48: {  	[tilespmem:v2+s0+$0x0 ss:$0x1] =	vst.idx.msk $0xffff, v3;
	s0 =	sor.u32 $0x40, s31  }
0x49: {  	v3 =	vld.idx.msk [tilespmem:v0+s0+$0x0 ss:$0x1], $0xffff  }
0x4a: {  	v52 =	vld.idx.msk [tilespmem:v1+s0+$0x0 ss:$0x1], $0xffff;
	_ =	sdelay $0x4  }
0x4b: {  	v3 =	vadd.f32 v52, v3;
	_ =	sdelay $0x1  }
0x4c: {  	[tilespmem:v2+s0+$0x0 ss:$0x1] =	vst.idx.msk $0xffff, v3;
	s0 =	sor.u32 $0x50, s31  }
0x4d: {  	v3 =	vld.idx.msk [tilespmem:v0+s0+$0x0 ss:$0x1], $0xffff  }
0x4e: {  	v53 =	vld.idx.msk [tilespmem:v1+s0+$0x0 ss:$0x1], $0xffff;
	_ =	sdelay $0x4  }
0x4f: {  	v3 =	vadd.f32 v53, v3;
	_ =	sdelay $0x1  }
0x50: {  	[tilespmem:v2+s0+$0x0 ss:$0x1] =	vst.idx.msk $0xffff, v3;
	s0 =	sor.u32 $0x60, s31  }
0x51: {  	v3 =	vld.idx.msk [tilespmem:v0+s0+$0x0 ss:$0x1], $0xffff  }
0x52: {  	v54 =	vld.idx.msk [tilespmem:v1+s0+$0x0 ss:$0x1], $0xffff;
	_ =	sdelay $0x4  }
0x53: {  	v3 =	vadd.f32 v54, v3;
	_ =	sdelay $0x1  }
0x54: {  	[tilespmem:v2+s0+$0x0 ss:$0x1] =	vst.idx.msk $0xffff, v3;
	s0 =	sor.u32 $0x70, s31  }
0x55: {  	v3 =	vld.idx.msk [tilespmem:v0+s0+$0x0 ss:$0x1], $0xffff  }
0x56: {  	v55 =	vld.idx.msk [tilespmem:v1+s0+$0x0 ss:$0x1], $0xffff;
	_ =	sdelay $0x4  }
0x57: {  	v3 =	vadd.f32 v55, v3;
	_ =	sdelay $0x1  }
0x58: {  	[tilespmem:v2+s0+$0x0 ss:$0x1] =	vst.idx.msk $0xffff, v3;
	s0 =	sor.u32 $0x400, s31  }
0x59: {  	v3 =	vld.idx.msk [tilespmem:v0+s0+$0x0 ss:$0x1], $0xffff  }
0x5a: {  	v56 =	vld.idx.msk [tilespmem:v1+s0+$0x0 ss:$0x1], $0xffff;
	_ =	sdelay $0x4  }
0x5b: {  	v3 =	vadd.f32 v56, v3;
	_ =	sdelay $0x1  }
0x5c: {  	[tilespmem:v2+s0+$0x0 ss:$0x1] =	vst.idx.msk $0xffff, v3;
	s0 =	sor.u32 $0x410, s31  }
0x5d: {  	v3 =	vld.idx.msk [tilespmem:v0+s0+$0x0 ss:$0x1], $0xffff  }
0x5e: {  	v57 =	vld.idx.msk [tilespmem:v1+s0+$0x0 ss:$0x1], $0xffff;
	_ =	sdelay $0x4  }
0x5f: {  	v3 =	vadd.f32 v57, v3;
	_ =	sdelay $0x1  }
0x60: {  	[tilespmem:v2+s0+$0x0 ss:$0x1] =	vst.idx.msk $0xffff, v3;
	s0 =	sor.u32 $0x420, s31  }
0x61: {  	v3 =	vld.idx.msk [tilespmem:v0+s0+$0x0 ss:$0x1], $0xffff  }
0x62: {  	v58 =	vld.idx.msk [tilespmem:v1+s0+$0x0 ss:$0x1], $0xffff;
	_ =	sdelay $0x4  }
0x63: {  	v3 =	vadd.f32 v58, v3;
	_ =	sdelay $0x1  }
0x64: {  	[tilespmem:v2+s0+$0x0 ss:$0x1] =	vst.idx.msk $0xffff, v3;
	s0 =	sor.u32 $0x430, s31  }
0x65: {  	v3 =	vld.idx.msk [tilespmem:v0+s0+$0x0 ss:$0x1], $0xffff  }
0x66: {  	v59 =	vld.idx.msk [tilespmem:v1+s0+$0x0 ss:$0x1], $0xffff;
	_ =	sdelay $0x4  }
0x67: {  	v3 =	vadd.f32 v59, v3;
	_ =	sdelay $0x1  }
0x68: {  	[tilespmem:v2+s0+$0x0 ss:$0x1] =	vst.idx.msk $0xffff, v3;
	s0 =	sor.u32 $0x440, s31  }
0x69: {  	v3 =	vld.idx.msk [tilespmem:v0+s0+$0x0 ss:$0x1], $0xffff  }
0x6a: {  	v60 =	vld.idx.msk [tilespmem:v1+s0+$0x0 ss:$0x1], $0xffff;
	_ =	sdelay $0x4  }
0x6b: {  	v3 =	vadd.f32 v60, v3;
	_ =	sdelay $0x1  }
0x6c: {  	[tilespmem:v2+s0+$0x0 ss:$0x1] =	vst.idx.msk $0xffff, v3;
	s0 =	sor.u32 $0x450, s31  }
0x6d: {  	v3 =	vld.idx.msk [tilespmem:v0+s0+$0x0 ss:$0x1], $0xffff  }
0x6e: {  	v61 =	vld.idx.msk [tilespmem:v1+s0+$0x0 ss:$0x1], $0xffff;
	_ =	sdelay $0x4  }
0x6f: {  	v3 =	vadd.f32 v61, v3;
	_ =	sdelay $0x1  }
0x70: {  	[tilespmem:v2+s0+$0x0 ss:$0x1] =	vst.idx.msk $0xffff, v3;
	s0 =	sor.u32 $0x460, s31  }
0x71: {  	v3 =	vld.idx.msk [tilespmem:v0+s0+$0x0 ss:$0x1], $0xffff  }
0x72: {  	v62 =	vld.idx.msk [tilespmem:v1+s0+$0x0 ss:$0x1], $0xffff;
	_ =	sdelay $0x4  }
0x73: {  	v3 =	vadd.f32 v62, v3;
	_ =	sdelay $0x1  }
0x74: {  	[tilespmem:v2+s0+$0x0 ss:$0x1] =	vst.idx.msk $0xffff, v3;
	s0 =	sor.u32 $0x470, s31  }
0x75: {  	v3 =	vld.idx.msk [tilespmem:v0+s0+$0x0 ss:$0x1], $0xffff  }
0x76: {  	v63 =	vld.idx.msk [tilespmem:v1+s0+$0x0 ss:$0x1], $0xffff;
	_ =	sdelay $0x1  }
0x77: {  	p4 =	por p3, p3  }
.Ltmp0:
0x78: {  	_ = 	snop;
	(pc) =	sbr.rel @p4 .LBB2_4-.Ltmp0, $3  }
0x79: {  	_ = 	snop  }
0x7a: {  	v3 =	vadd.f32 v63, v3;
	_ =	sdelay $0x1  }
0x7b: {  	p3 =	por $0x0, $0x0;
	s31 =	simm.s32 $0x800;
	[tilespmem:v2+s0+$0x0 ss:$0x1] =	vst.idx.msk $0xffff, v3  }
0x7c: {  	s29 =	sadd.s32 $0x1, s29  }
0x7d: {  	p3 =	sne.s32 s29, $0x20  }
.Ltmp1:
0x7e: {  	_ = 	snop;
	(pc) =	sbr.rel @p3 .LBB2_3-.Ltmp1, $1  }
0x7f: {  	_ =	sdelay $0x3  }
0x80: {  	p3 =	seq.s32 s22, $0x3F  }
0x81: {  	p1 =	por p3, p1  }
0x82: {  	s0 =	sshll.u32 @p1 s25, $0xF;
	s24 =	sshll.u32 @p1 s24, $0xC  }
0x83: {  	_ =	strace $0x9000004D;
	p4 =	seq.s32 s22, $0x0;
	s0 =	sadd.s32 @p1 s24, s0  }
0x84: {  	_ =	strace @p1 $0x8000004E;
	s25 =	simm.s32 @p1 $0x1000;
	s0 =	sshrl.u32 @p1 s0, $0x3  }
0x85: {  	s24 =	sadd.s32 @p1 $0x5, s26;
	s26 =	simm.s32 @p1 $0x2000;
	s0 =	sadd.s32 @p1 s3, s0  }
0x86: {  	[hbm4b:s0+s25] =	stream.strided.scatter @p1 [tilespmem:s28], [sflag:s24], $0x4000, s26, s25, $0x200038;
	[tilespmem:$0x18000] =	vst v63  }
0x87: {  	p0 =	por p3, p0;
	s0 =	sand.u32 @!p4 $0x1, s15;
	s24 =	simm.s32 $0x1  }
0x88: {  	s25 =	simm.s32 $0x1;
	_ =	strace @p1 $0x9000004E;
	s0 =	sadd.s32 @!p4 $0x5, s0  }
0x89: {  	s24 =	simm.s32 @!p2 $0x0;
	s25 =	simm.s32 @!p1 $0x0;
	p1 =	sne.s32 s22, $0x0  }
0x8a: {  	s22 =	sadd.s32 $0x1, s22;
	s19 =	sadd.s32 s24, s19;
	s24 =	simm.s32 $0x1  }
0x8b: {  	_ =	strace @!p4 $0x8000004F;
	s24 =	simm.s32 @!p0 $0x0;
	p0 =	sne.s32 s22, $0x40  }
.Ltmp2:
0x8c: {  	_ =	swait.ge @!p4 [sflag:s0], $0x4000;
	(pc) =	sbr.rel @p0 .LBB2_2-.Ltmp2, $4  }
0x8d: {  	[sflag:s0] =	ssyncset.done @!p4 $0x0  }
0x8e: {  	s17 =	sadd.s32 s25, s17;
	[sflag:s0] =	ssyncadd.s32 @!p4 $0xFFFFC000;
	s0 =	simm.s32 $0x1  }
0x8f: {  	s20 =	sadd.s32 s25, s20;
	s18 =	sadd.s32 s24, s18;
	s0 =	simm.s32 @!p1 $0x0  }
0x90: {  	s24 =	smov.u32 s23;
	_ =	strace @!p4 $0x9000004F;
	s15 =	sadd.s32 s0, s15  }
0x91: {  	s14 =	sadd.s32 $0x1, s14  }
0x92: {  	p0 =	sne.s32 s14, s9  }
.Ltmp3:
0x93: {  	_ =	strace $0x80000050;
	(pc) =	sbr.rel @p0 .LBB2_1-.Ltmp3, $4  }
0x94: {  	_ =	swait.ge [sflag:s13], $0x4000  }
0x95: {  	[sflag:s13] =	ssyncset.done $0x0  }
0x96: {  	[sflag:s13] =	ssyncadd.s32 $0xFFFFC000  }
0x97: {  	_ =	strace $0x90000050  }
0x98: {  	_ =	sfence.sel $0x180000  }
0x99: {  	[bflag:$0x0] =	sbarrier.arrive $0xFFFF  }
0x9a: {  	_ =	strace $0x90000047  }
0x9b: {  	[bflag:$0x2] =	sbarrier.arrive $0xFFFF  }
0x9c: {  	p0 =	sne.s32 s5, $0x0;
	s0 =	rddreg [dreg:$0x3]  }
0x9d: {  	s0 =	sadd.s32 @!p0 $0x100000, s0  }
0x9e: {  	[sflag:s0] =	ssyncadd.tile.s32 @!p0 $0x1;
	_ =	shalt  }
.Lfunc_end2:
_tile_overlayer_lowered:
.L_overlay_start_2:
0x9f: {  	(tag) =	ssettag $0x2  }
0xa0: {  	s0 =	rddreg [dreg:$0x0];
	s2 =	stileid.u32  }
0xa1: {  	s1 =	rddreg [dreg:$0x1];
	p0 =	sne.s32 s2, $0x0  }
0xa2: {  	s3 =	rddreg [dreg:$0x2];
	[bflag:$0x3] =	sbarrier.arrive $0xFFFF;
	s2 =	simm.s32 @!p0 $0x1C01  }
0xa3: {  	[timem:s3], [sflag:s2] =	dma.local @!p0 [hbm:s0], s1  }
0xa4: {  	s0 =	simm.s32 @!p0 $0x1  }
0xa5: {  	_ =	swait.ge @!p0 [sflag:s0], s1  }
0xa6: {  	s1 =	ssub.s32 @!p0 $0x0, s1;
	[sflag:s0] =	ssyncset.done @!p0 $0x0  }
0xa7: {  	[sflag:s0] =	ssyncadd.s32 @!p0 s1  }
0xa8: {  	[bflag:$0x3] =	sbarrier.arrive $0xFFFF  }
0xa9: {  	_ =	shalt  }

</sc_bundles>
